<compile_context>
chip_gen: v7x
topology: tpu7x:2x2x1
jax: 0.10.2.dev20260603
libtpu: 0.0.44.dev20260713+nightly
codegen_flags: <defaults>
</compile_context>

<pallas_src>
import functools

import jax
import jax.numpy as jnp
from jax import lax
from jax.experimental import pallas as pl
from jax.experimental.pallas import tpu as pltpu
from jax.experimental.pallas import tpu_sc as plsc

N_E = 8192
E_DIM = 256
BETA = 0.25
B_TOK = 8192
BM = 256
N_BLOCKS = B_TOK // BM

SC_CORES = 2
SC_SUBCORES = 16
SC_WORKERS = SC_CORES * SC_SUBCORES
ROWS_PER_WORKER = B_TOK // SC_WORKERS
GATHER_CHUNK = 128


N_WIN = 4
WIN = N_E // N_WIN


def _round_bf16(v):
    u = lax.bitcast_convert_type(v, jnp.uint32)
    u = (u + jnp.uint32(0x7FFF) + ((u >> 16) & jnp.uint32(1))) \
        & jnp.uint32(0xFFFF0000)
    return lax.bitcast_convert_type(u, jnp.float32)


def _dist_body(zbf_ref, zsq_ref, ebf_ref, esq_ref,
               idx_ref, enc_ref, loss_ref, perp_ref,
               counts_ref, acc_ref):
    m = pl.program_id(0)
    zbf = zbf_ref[...]
    ebf = ebf_ref[...]
    mm = lax.dot_general(zbf, ebf, (((1,), (1,)), ((), ())),
                         preferred_element_type=jnp.float32)
    zsq = zsq_ref[...]
    esq = esq_ref[...]
    d = (zsq + esq) - 2.0 * mm
    big = jnp.int32(jnp.iinfo(jnp.int32).max)
    jw0 = lax.broadcasted_iota(jnp.int32, (BM, WIN), 1)
    acc_v = jnp.full((BM, 1), jnp.inf, jnp.float32)
    sel_v = jnp.zeros((BM, 1), jnp.float32)
    acc_i = jnp.zeros((BM, 1), jnp.int32)
    for w in range(N_WIN):
        dw = d[:, w * WIN:(w + 1) * WIN]
        wmin = jnp.min(dw, axis=1, keepdims=True)
        wi = jnp.min(jnp.where(dw == wmin, jw0, big), axis=1, keepdims=True)
        wi = wi + jnp.int32(w * WIN)
        lt = wmin < acc_v
        eq = wmin == acc_v
        acc_i = jnp.where(lt | (eq & (wi < acc_i)), wi, acc_i)
        sel_v = jnp.where(lt, wmin, sel_v)
        acc_v = _round_bf16(jnp.where(lt, wmin, acc_v))
    idx_ref[...] = acc_i

    csums = []
    for w in range(N_WIN):
        enc_w = (jw0 == (acc_i - jnp.int32(w * WIN))).astype(jnp.float32)
        enc_ref[:, w * WIN:(w + 1) * WIN] = enc_w
        csums.append(jnp.sum(enc_w, axis=0, keepdims=True))
    cpart = jnp.concatenate(csums, axis=1)
    part = jnp.sum(sel_v)

    @pl.when(m == 0)
    def _init():
        acc_ref[0, 0] = part
        counts_ref[...] = cpart

    @pl.when(m != 0)
    def _acc():
        acc_ref[0, 0] = acc_ref[0, 0] + part
        counts_ref[...] = counts_ref[...] + cpart

    @pl.when(m == jnp.int32(N_BLOCKS - 1))
    def _final():
        total = acc_ref[0, 0] + 0.0
        loss_ref[0, 0] = (1.0 + BETA) * total / jnp.float32(B_TOK * E_DIM)
        e_mean = counts_ref[...] * jnp.float32(1.0 / B_TOK)
        ent = jnp.sum(e_mean * jnp.log(e_mean + 1e-10))
        perp_ref[0, 0] = jnp.exp(-ent)


def _argmin_onehot(zbf, zsq, ebf, esq):
    return pl.pallas_call(
        _dist_body,
        grid=(N_BLOCKS,),
        in_specs=[
            pl.BlockSpec((BM, E_DIM), lambda m: (m, 0)),
            pl.BlockSpec((BM, 1), lambda m: (m, 0)),
            pl.BlockSpec((N_E, E_DIM), lambda m: (0, 0)),
            pl.BlockSpec((1, N_E), lambda m: (0, 0)),
        ],
        out_specs=[
            pl.BlockSpec((BM, 1), lambda m: (m, 0)),
            pl.BlockSpec((BM, N_E), lambda m: (m, 0)),
            pl.BlockSpec((1, 1), lambda m: (0, 0), memory_space=pltpu.SMEM),
            pl.BlockSpec((1, 1), lambda m: (0, 0), memory_space=pltpu.SMEM),
        ],
        out_shape=[
            jax.ShapeDtypeStruct((B_TOK, 1), jnp.int32),
            jax.ShapeDtypeStruct((B_TOK, N_E), jnp.float32),
            jax.ShapeDtypeStruct((1, 1), jnp.float32),
            jax.ShapeDtypeStruct((1, 1), jnp.float32),
        ],
        scratch_shapes=[
            pltpu.VMEM((1, N_E), jnp.float32),
            pltpu.SMEM((1, 1), jnp.float32),
        ],
    )(zbf, zsq, ebf, esq)


def _gather_kernel_body(idx_hbm, table_hbm, out_hbm, idx_v, rows_v, sem):
    wid = lax.axis_index("s") * SC_CORES + lax.axis_index("c")
    for c in range(ROWS_PER_WORKER // GATHER_CHUNK):
        base = wid * ROWS_PER_WORKER + c * GATHER_CHUNK
        pltpu.sync_copy(idx_hbm.at[pl.ds(base, GATHER_CHUNK)], idx_v)
        pltpu.async_copy(table_hbm.at[idx_v], rows_v, sem).wait()
        pltpu.sync_copy(rows_v, out_hbm.at[pl.ds(base, GATHER_CHUNK)])


def _sc_gather(idx_flat, e):
    mesh = plsc.VectorSubcoreMesh(core_axis_name="c", subcore_axis_name="s")
    call = functools.partial(
        pl.kernel,
        out_type=jax.ShapeDtypeStruct((B_TOK, E_DIM), jnp.float32),
        mesh=mesh,
        scratch_types=[
            pltpu.VMEM((GATHER_CHUNK,), jnp.int32),
            pltpu.VMEM((GATHER_CHUNK, E_DIM), jnp.float32),
            pltpu.SemaphoreType.DMA,
        ],
    )(_gather_kernel_body)
    return call(idx_flat, e)


def _epi_body(z_ref, zq_ref, zqt_ref):
    zb = z_ref[0]
    zqb = zq_ref[...]
    zqt_ref[0] = (zb + (zqb - zb)).T


def _epilogue(z, z_q_rows):
    return pl.pallas_call(
        _epi_body,
        grid=(8,),
        in_specs=[
            pl.BlockSpec((1, 1024, E_DIM), lambda b: (b, 0, 0)),
            pl.BlockSpec((1024, E_DIM), lambda b: (b, 0)),
        ],
        out_specs=pl.BlockSpec((1, E_DIM, 1024), lambda b: (b, 0, 0)),
        out_shape=jax.ShapeDtypeStruct((8, E_DIM, 1024), jnp.float32),
    )(z, z_q_rows)


def kernel(z, embedding_weight):
    z_flat = z.reshape(-1, E_DIM)
    zsq = jnp.sum(z_flat ** 2, axis=1, keepdims=True)
    esq = jnp.sum(embedding_weight ** 2, axis=1)[None, :]
    zbf = z_flat.astype(jnp.bfloat16)
    ebf = embedding_weight.astype(jnp.bfloat16)
    idx2d, min_encodings, loss, perp = _argmin_onehot(zbf, zsq, ebf, esq)
    z_q_rows = _sc_gather(idx2d.reshape(-1), embedding_weight)
    z_q_t = _epilogue(z, z_q_rows)
    loss = loss.reshape(())
    perplexity = perp.reshape(())
    return (z_q_t, loss, (perplexity, min_encodings, idx2d))

# --- scband reference (transcript-rebuilt; emitter-appended) ---
"""Pipeline reference for scband-vector-quantizer-78280073937157 (READ-ONLY COPY).

The authoritative reference and input builder live on the scoring server;
editing this copy changes nothing except your own understanding.
"""

import jax, jax.numpy as jnp
import numpy as np

N_E = 8192
E_DIM = 256
BETA = 0.25

def setup_inputs(seed: int = 0) -> dict:
    key = jax.random.key(seed)
    k1, k2 = jax.random.split(key)
    z = jax.random.normal(k1, (8, 1024, E_DIM), dtype=jnp.float32)
    embedding_weight = jax.random.uniform(k2, (N_E, E_DIM), dtype=jnp.float32, minval=-1.0 / N_E, maxval=1.0 / N_E)
    return {"z": z, "embedding_weight": embedding_weight}

def reference(z, embedding_weight):
    z_flattened = z.reshape(-1, E_DIM)
    d = (jnp.sum(z_flattened ** 2, axis=1, keepdims=True)
         + jnp.sum(embedding_weight ** 2, axis=1)
         - 2.0 * jnp.matmul(z_flattened, embedding_weight.T))
    min_encoding_indices = jnp.argmin(d, axis=1)[:, None]
    min_encodings = jax.nn.one_hot(min_encoding_indices[:, 0], N_E, dtype=z.dtype)
    z_q = jnp.matmul(min_encodings, embedding_weight).reshape(z.shape)
    loss = (BETA * jnp.mean((jax.lax.stop_gradient(z_q) - z) ** 2)
            + jnp.mean((z_q - jax.lax.stop_gradient(z)) ** 2))
    z_q = z + jax.lax.stop_gradient(z_q - z)
    e_mean = jnp.mean(min_encodings, axis=0)
    perplexity = jnp.exp(-jnp.sum(e_mean * jnp.log(e_mean + 1e-10)))
    z_q = jnp.transpose(z_q, (0, 2, 1))
    return (z_q, loss, (perplexity, min_encodings, min_encoding_indices))

if __name__ == "__main__":
    import jax
    _d = setup_inputs()
    print(jax.jit(kernel)(*tuple(_d.values())))

</pallas_src>

<mosaic_0001>
#map = affine_map<(d0, d1) -> (0)>
#map1 = affine_map<(d0, d1) -> (0, 0)>
module attributes {stable_mosaic.version = 14 : i64} {
  func.func @_gather_kernel_body(%arg0: i32, %arg1: i32, %arg2: memref<8192xi32, #tpu.memory_space<hbm>>, %arg3: memref<8192x256xf32, #tpu.memory_space<hbm>>, %arg4: memref<8192x256xf32, #tpu.memory_space<hbm>>, %arg5: memref<128xi32, #tpu.memory_space<vmem>>, %arg6: memref<128x256xf32, #tpu.memory_space<vmem>>, %arg7: memref<!tpu.dma_semaphore, #tpu.memory_space<semaphore_mem>>) attributes {dimension_semantics = [#tpu.dimension_semantics<core_parallel>, #tpu.dimension_semantics<subcore_parallel>], iteration_bounds = array<i64: 2, 16>, scalar_prefetch = 0 : i64, scratch_operands = 3 : i64, tpu.core_type = #tpu.core_type<sc_vector_subcore>, window_params = [{transform_indices = #map}, {transform_indices = #map1}, {transform_indices = #map1}]} {
    %mul3A = arith.constant 2 : i32
    %mul3A_0 = arith.muli %arg1, %mul3A : i32
    %add3A = arith.addi %mul3A_0, %arg0 : i32
    %mul3A_1 = arith.constant 256 : i32
    %mul3A_2 = arith.muli %add3A, %mul3A_1 : i32
    %add3A_3 = arith.constant 0 : i32
    %add3A_4 = arith.addi %mul3A_2, %add3A_3 : i32
    "tpu.region"() ({
      %run_scoped3A = tpu.sem_alloc : memref<!tpu.dma_semaphore, #tpu.memory_space<semaphore_mem>>
      %dma_start3A_19 = tpu.memref_slice %arg2[%add3A_4] : memref<8192xi32, #tpu.memory_space<hbm>> -> memref<128xi32, #tpu.memory_space<hbm>>
      %dma_start3A_20 = tpu.memref_slice %arg2[%add3A_4] : memref<8192xi32, #tpu.memory_space<hbm>> -> memref<128xi32, #tpu.memory_space<hbm>>
      tpu.enqueue_dma source(%dma_start3A_20 : memref<128xi32, #tpu.memory_space<hbm>>) target(%arg5 : memref<128xi32, #tpu.memory_space<vmem>>) target_semaphore(%run_scoped3A : memref<!tpu.dma_semaphore, #tpu.memory_space<semaphore_mem>>)
      %dma_wait3A_21 = tpu.memref_slice %arg2[%add3A_4] : memref<8192xi32, #tpu.memory_space<hbm>> -> memref<128xi32, #tpu.memory_space<hbm>>
      %dma_wait3A_22 = tpu.memref_slice %arg2[%add3A_4] : memref<8192xi32, #tpu.memory_space<hbm>> -> memref<128xi32, #tpu.memory_space<hbm>>
      tpu.wait_dma2 semaphore(%run_scoped3A : memref<!tpu.dma_semaphore, #tpu.memory_space<semaphore_mem>>) src(%dma_wait3A_22 : memref<128xi32, #tpu.memory_space<hbm>>) dst(%arg5 : memref<128xi32, #tpu.memory_space<vmem>>)
      tpu.yield
    }) : () -> ()
    %dma_start3A = arith.constant 0 : i32
    %dma_start3A_5 = arith.constant 0 : i32
    %dma_start3A_6 = tpu.memref_slice %arg3[%dma_start3A, %dma_start3A_5] : memref<8192x256xf32, #tpu.memory_space<hbm>> -> memref<8192x256xf32, #tpu.memory_space<hbm>>
    tpu.enqueue_indirect_dma source(%dma_start3A_6 : memref<8192x256xf32, #tpu.memory_space<hbm>>) target(%arg6 : memref<128x256xf32, #tpu.memory_space<vmem>>) offsets(%arg5 : memref<128xi32, #tpu.memory_space<vmem>>) semaphore(%arg7 : memref<!tpu.dma_semaphore, #tpu.memory_space<semaphore_mem>>)
    %dma_wait3A = arith.constant 0 : i32
    %dma_wait3A_7 = arith.constant 0 : i32
    %dma_wait3A_8 = tpu.memref_slice %arg3[%dma_wait3A, %dma_wait3A_7] : memref<8192x256xf32, #tpu.memory_space<hbm>> -> memref<8192x256xf32, #tpu.memory_space<hbm>>
    tpu.wait_indirect_dma semaphore(%arg7 : memref<!tpu.dma_semaphore, #tpu.memory_space<semaphore_mem>>) src(%dma_wait3A_8 : memref<8192x256xf32, #tpu.memory_space<hbm>>) dst(%arg6 : memref<128x256xf32, #tpu.memory_space<vmem>>)
    "tpu.region"() ({
      %run_scoped3A = tpu.sem_alloc : memref<!tpu.dma_semaphore, #tpu.memory_space<semaphore_mem>>
      %dma_start3A_19 = arith.constant 0 : i32
      %dma_start3A_20 = tpu.memref_slice %arg4[%add3A_4, %dma_start3A_19] : memref<8192x256xf32, #tpu.memory_space<hbm>> -> memref<128x256xf32, #tpu.memory_space<hbm>>
      %dma_start3A_21 = arith.constant 0 : i32
      %dma_start3A_22 = tpu.memref_slice %arg4[%add3A_4, %dma_start3A_21] : memref<8192x256xf32, #tpu.memory_space<hbm>> -> memref<128x256xf32, #tpu.memory_space<hbm>>
      tpu.enqueue_dma source(%arg6 : memref<128x256xf32, #tpu.memory_space<vmem>>) target(%dma_start3A_22 : memref<128x256xf32, #tpu.memory_space<hbm>>) target_semaphore(%run_scoped3A : memref<!tpu.dma_semaphore, #tpu.memory_space<semaphore_mem>>)
      %dma_wait3A_23 = arith.constant 0 : i32
      %dma_wait3A_24 = tpu.memref_slice %arg4[%add3A_4, %dma_wait3A_23] : memref<8192x256xf32, #tpu.memory_space<hbm>> -> memref<128x256xf32, #tpu.memory_space<hbm>>
      %dma_wait3A_25 = arith.constant 0 : i32
      %dma_wait3A_26 = tpu.memref_slice %arg4[%add3A_4, %dma_wait3A_25] : memref<8192x256xf32, #tpu.memory_space<hbm>> -> memref<128x256xf32, #tpu.memory_space<hbm>>
      tpu.wait_dma2 semaphore(%run_scoped3A : memref<!tpu.dma_semaphore, #tpu.memory_space<semaphore_mem>>) src(%arg6 : memref<128x256xf32, #tpu.memory_space<vmem>>) dst(%dma_wait3A_26 : memref<128x256xf32, #tpu.memory_space<hbm>>)
      tpu.yield
    }) : () -> ()
    %mul3A_9 = arith.constant 256 : i32
    %mul3A_10 = arith.muli %add3A, %mul3A_9 : i32
    %add3A_11 = arith.constant 128 : i32
    %add3A_12 = arith.addi %mul3A_10, %add3A_11 : i32
    "tpu.region"() ({
      %run_scoped3A = tpu.sem_alloc : memref<!tpu.dma_semaphore, #tpu.memory_space<semaphore_mem>>
      %dma_start3A_19 = tpu.memref_slice %arg2[%add3A_12] : memref<8192xi32, #tpu.memory_space<hbm>> -> memref<128xi32, #tpu.memory_space<hbm>>
      %dma_start3A_20 = tpu.memref_slice %arg2[%add3A_12] : memref<8192xi32, #tpu.memory_space<hbm>> -> memref<128xi32, #tpu.memory_space<hbm>>
      tpu.enqueue_dma source(%dma_start3A_20 : memref<128xi32, #tpu.memory_space<hbm>>) target(%arg5 : memref<128xi32, #tpu.memory_space<vmem>>) target_semaphore(%run_scoped3A : memref<!tpu.dma_semaphore, #tpu.memory_space<semaphore_mem>>)
      %dma_wait3A_21 = tpu.memref_slice %arg2[%add3A_12] : memref<8192xi32, #tpu.memory_space<hbm>> -> memref<128xi32, #tpu.memory_space<hbm>>
      %dma_wait3A_22 = tpu.memref_slice %arg2[%add3A_12] : memref<8192xi32, #tpu.memory_space<hbm>> -> memref<128xi32, #tpu.memory_space<hbm>>
      tpu.wait_dma2 semaphore(%run_scoped3A : memref<!tpu.dma_semaphore, #tpu.memory_space<semaphore_mem>>) src(%dma_wait3A_22 : memref<128xi32, #tpu.memory_space<hbm>>) dst(%arg5 : memref<128xi32, #tpu.memory_space<vmem>>)
      tpu.yield
    }) : () -> ()
    %dma_start3A_13 = arith.constant 0 : i32
    %dma_start3A_14 = arith.constant 0 : i32
    %dma_start3A_15 = tpu.memref_slice %arg3[%dma_start3A_13, %dma_start3A_14] : memref<8192x256xf32, #tpu.memory_space<hbm>> -> memref<8192x256xf32, #tpu.memory_space<hbm>>
    tpu.enqueue_indirect_dma source(%dma_start3A_15 : memref<8192x256xf32, #tpu.memory_space<hbm>>) target(%arg6 : memref<128x256xf32, #tpu.memory_space<vmem>>) offsets(%arg5 : memref<128xi32, #tpu.memory_space<vmem>>) semaphore(%arg7 : memref<!tpu.dma_semaphore, #tpu.memory_space<semaphore_mem>>)
    %dma_wait3A_16 = arith.constant 0 : i32
    %dma_wait3A_17 = arith.constant 0 : i32
    %dma_wait3A_18 = tpu.memref_slice %arg3[%dma_wait3A_16, %dma_wait3A_17] : memref<8192x256xf32, #tpu.memory_space<hbm>> -> memref<8192x256xf32, #tpu.memory_space<hbm>>
    tpu.wait_indirect_dma semaphore(%arg7 : memref<!tpu.dma_semaphore, #tpu.memory_space<semaphore_mem>>) src(%dma_wait3A_18 : memref<8192x256xf32, #tpu.memory_space<hbm>>) dst(%arg6 : memref<128x256xf32, #tpu.memory_space<vmem>>)
    "tpu.region"() ({
      %run_scoped3A = tpu.sem_alloc : memref<!tpu.dma_semaphore, #tpu.memory_space<semaphore_mem>>
      %dma_start3A_19 = arith.constant 0 : i32
      %dma_start3A_20 = tpu.memref_slice %arg4[%add3A_12, %dma_start3A_19] : memref<8192x256xf32, #tpu.memory_space<hbm>> -> memref<128x256xf32, #tpu.memory_space<hbm>>
      %dma_start3A_21 = arith.constant 0 : i32
      %dma_start3A_22 = tpu.memref_slice %arg4[%add3A_12, %dma_start3A_21] : memref<8192x256xf32, #tpu.memory_space<hbm>> -> memref<128x256xf32, #tpu.memory_space<hbm>>
      tpu.enqueue_dma source(%arg6 : memref<128x256xf32, #tpu.memory_space<vmem>>) target(%dma_start3A_22 : memref<128x256xf32, #tpu.memory_space<hbm>>) target_semaphore(%run_scoped3A : memref<!tpu.dma_semaphore, #tpu.memory_space<semaphore_mem>>)
      %dma_wait3A_23 = arith.constant 0 : i32
      %dma_wait3A_24 = tpu.memref_slice %arg4[%add3A_12, %dma_wait3A_23] : memref<8192x256xf32, #tpu.memory_space<hbm>> -> memref<128x256xf32, #tpu.memory_space<hbm>>
      %dma_wait3A_25 = arith.constant 0 : i32
      %dma_wait3A_26 = tpu.memref_slice %arg4[%add3A_12, %dma_wait3A_25] : memref<8192x256xf32, #tpu.memory_space<hbm>> -> memref<128x256xf32, #tpu.memory_space<hbm>>
      tpu.wait_dma2 semaphore(%run_scoped3A : memref<!tpu.dma_semaphore, #tpu.memory_space<semaphore_mem>>) src(%arg6 : memref<128x256xf32, #tpu.memory_space<vmem>>) dst(%dma_wait3A_26 : memref<128x256xf32, #tpu.memory_space<hbm>>)
      tpu.yield
    }) : () -> ()
    return
  }
}

module attributes {stable_mosaic.version = 14 : i64} {
  func.func @_dist_body(%arg0: i32, %arg1: memref<256x256xbf16, #tpu.memory_space<vmem>>, %arg2: memref<256x1xf32, #tpu.memory_space<vmem>>, %arg3: memref<8192x256xbf16, #tpu.memory_space<vmem>>, %arg4: memref<1x8192xf32, #tpu.memory_space<vmem>>, %arg5: memref<256x1xi32, #tpu.memory_space<vmem>>, %arg6: memref<256x8192xf32, #tpu.memory_space<vmem>>, %arg7: memref<1x1xf32, #tpu.memory_space<smem>>, %arg8: memref<1x1xf32, #tpu.memory_space<smem>>, %arg9: memref<1x8192xf32, #tpu.memory_space<vmem>>, %arg10: memref<1x1xf32, #tpu.memory_space<smem>>) attributes {dimension_semantics = [#tpu.dimension_semantics<arbitrary>], iteration_bounds = array<i64: 32>, scalar_prefetch = 0 : i64, scratch_operands = 2 : i64, tpu.core_type = #tpu.core_type<tc>, window_params = [{transform_indices = @transform_0, window_bounds = array<i64: 256, 256>}, {transform_indices = @transform_1, window_bounds = array<i64: 256, 1>}, {pipeline_mode = #tpu.pipeline_mode<synchronous>, transform_indices = @transform_2, window_bounds = array<i64: 8192, 256>}, {pipeline_mode = #tpu.pipeline_mode<synchronous>, transform_indices = @transform_3, window_bounds = array<i64: 1, 8192>}, {transform_indices = @transform_4, window_bounds = array<i64: 256, 1>}, {transform_indices = @transform_5, window_bounds = array<i64: 256, 8192>}, {transform_indices = @transform_6, window_bounds = array<i64: 1, 1>}, {transform_indices = @transform_7, window_bounds = array<i64: 1, 1>}]} {
    %get3A = arith.constant 0 : index
    %get3A_0 = arith.constant 0 : index
    %get3A_1 = vector.load %arg1[%get3A, %get3A_0] : memref<256x256xbf16, #tpu.memory_space<vmem>>, vector<256x256xbf16>
    %get3A_2 = arith.constant 0 : index
    %get3A_3 = arith.constant 0 : index
    %get3A_4 = vector.load %arg3[%get3A_2, %get3A_3] : memref<8192x256xbf16, #tpu.memory_space<vmem>>, vector<8192x256xbf16>
    %dot_general3A = arith.constant dense<0.000000e+00> : vector<256x8192xf32>
    %dot_general3A_5 = tpu.matmul %get3A_1, %get3A_4, %dot_general3A {dimension_numbers = #tpu.dot_dimension_numbers<[1], [1], [0], [0], [0, 0, 1, 0], [], []>, transpose_lhs_hint = false} : vector<256x256xbf16>, vector<8192x256xbf16>, vector<256x8192xf32> -> vector<256x8192xf32>
    %get3A_6 = arith.constant 0 : index
    %get3A_7 = arith.constant 0 : index
    %get3A_8 = vector.load %arg2[%get3A_6, %get3A_7] : memref<256x1xf32, #tpu.memory_space<vmem>>, vector<256x1xf32>
    %get3A_9 = arith.constant 0 : index
    %get3A_10 = arith.constant 0 : index
    %get3A_11 = vector.load %arg4[%get3A_9, %get3A_10] : memref<1x8192xf32, #tpu.memory_space<vmem>>, vector<1x8192xf32>
    %add3A = vector.broadcast %get3A_8 : vector<256x1xf32> to vector<256x8192xf32>
    %add3A_12 = vector.broadcast %get3A_11 : vector<1x8192xf32> to vector<256x8192xf32>
    %add3A_13 = arith.addf %add3A, %add3A_12 : vector<256x8192xf32>
    %mul3A = arith.constant 2.000000e+00 : f32
    %mul3A_14 = vector.broadcast %mul3A : f32 to vector<256x8192xf32>
    %mul3A_15 = arith.mulf %mul3A_14, %dot_general3A_5 : vector<256x8192xf32>
    %sub3A = arith.subf %add3A_13, %mul3A_15 : vector<256x8192xf32>
    %iota3A = tpu.iota {dimensions = array<i32: 1>} : vector<256x2048xi32>
    %broadcast_in_dim3A = arith.constant 0x7F800000 : f32
    %broadcast_in_dim3A_16 = vector.broadcast %broadcast_in_dim3A : f32 to vector<256x1xf32>
    %broadcast_in_dim3A_17 = arith.constant 0.000000e+00 : f32
    %broadcast_in_dim3A_18 = vector.broadcast %broadcast_in_dim3A_17 : f32 to vector<256x1xf32>
    %broadcast_in_dim3A_19 = arith.constant 0 : i32
    %broadcast_in_dim3A_20 = vector.broadcast %broadcast_in_dim3A_19 : i32 to vector<256x1xi32>
    %slice3A = vector.extract_strided_slice %sub3A {offsets = [0, 0], sizes = [256, 2048], strides = [1, 1]} : vector<256x8192xf32> to vector<256x2048xf32>
    %reduce_min3A = arith.constant dense<0x7F800000> : vector<256xf32>
    %reduce_min3A_21 = vector.multi_reduction <minimumf>, %slice3A, %reduce_min3A [1] : vector<256x2048xf32> to vector<256xf32>
    %broadcast_in_dim3A_22 = vector.shape_cast %reduce_min3A_21 : vector<256xf32> to vector<256x1xf32>
    %eq3A = vector.broadcast %broadcast_in_dim3A_22 : vector<256x1xf32> to vector<256x2048xf32>
    %eq3A_23 = arith.cmpf oeq, %slice3A, %eq3A : vector<256x2048xf32>
    %jit3A = arith.constant 2147483647 : i32
    %broadcast_in_dim3A_24 = vector.broadcast %jit3A : i32 to vector<256x2048xi32>
    %select_n3A = arith.select %eq3A_23, %iota3A, %broadcast_in_dim3A_24 : vector<256x2048xi1>, vector<256x2048xi32>
    %reduce_min3A_25 = arith.constant dense<2147483647> : vector<256xi32>
    %reduce_min3A_26 = vector.multi_reduction <minsi>, %select_n3A, %reduce_min3A_25 [1] : vector<256x2048xi32> to vector<256xi32>
    %broadcast_in_dim3A_27 = vector.shape_cast %reduce_min3A_26 : vector<256xi32> to vector<256x1xi32>
    %add3A_28 = arith.constant 0 : i32
    %add3A_29 = vector.broadcast %add3A_28 : i32 to vector<256x1xi32>
    %add3A_30 = arith.addi %broadcast_in_dim3A_27, %add3A_29 : vector<256x1xi32>
    %lt3A = arith.cmpf olt, %broadcast_in_dim3A_22, %broadcast_in_dim3A_16 : vector<256x1xf32>
    %eq3A_31 = arith.cmpf oeq, %broadcast_in_dim3A_22, %broadcast_in_dim3A_16 : vector<256x1xf32>
    %lt3A_32 = arith.cmpi slt, %add3A_30, %broadcast_in_dim3A_20 : vector<256x1xi32>
    %and3A = arith.andi %eq3A_31, %lt3A_32 : vector<256x1xi1>
    %or3A = arith.ori %lt3A, %and3A : vector<256x1xi1>
    %select_n3A_33 = arith.select %or3A, %add3A_30, %broadcast_in_dim3A_20 : vector<256x1xi1>, vector<256x1xi32>
    %select_n3A_34 = arith.select %lt3A, %broadcast_in_dim3A_22, %broadcast_in_dim3A_18 : vector<256x1xi1>, vector<256x1xf32>
    %select_n3A_35 = arith.select %lt3A, %broadcast_in_dim3A_22, %broadcast_in_dim3A_16 : vector<256x1xi1>, vector<256x1xf32>
    %bitcast_convert_type3A = tpu.bitcast %select_n3A_35 : vector<256x1xf32> -> vector<256x1xi32>
    %add3A_36 = arith.constant 32767 : i32
    %add3A_37 = vector.broadcast %add3A_36 : i32 to vector<256x1xi32>
    %add3A_38 = arith.addi %bitcast_convert_type3A, %add3A_37 : vector<256x1xi32>
    %shift_right_logical3A = arith.constant 16 : i32
    %shift_right_logical3A_39 = vector.broadcast %shift_right_logical3A : i32 to vector<256x1xi32>
    %shift_right_logical3A_40 = arith.shrui %bitcast_convert_type3A, %shift_right_logical3A_39 : vector<256x1xi32>
    %and3A_41 = arith.constant 1 : i32
    %and3A_42 = vector.broadcast %and3A_41 : i32 to vector<256x1xi32>
    %and3A_43 = arith.andi %shift_right_logical3A_40, %and3A_42 : vector<256x1xi32>
    %add3A_44 = arith.addi %add3A_38, %and3A_43 : vector<256x1xi32>
    %and3A_45 = arith.constant -65536 : i32
    %and3A_46 = vector.broadcast %and3A_45 : i32 to vector<256x1xi32>
    %and3A_47 = arith.andi %add3A_44, %and3A_46 : vector<256x1xi32>
    %bitcast_convert_type3A_48 = tpu.bitcast %and3A_47 : vector<256x1xi32> -> vector<256x1xf32>
    %slice3A_49 = vector.extract_strided_slice %sub3A {offsets = [0, 2048], sizes = [256, 2048], strides = [1, 1]} : vector<256x8192xf32> to vector<256x2048xf32>
    %reduce_min3A_50 = arith.constant dense<0x7F800000> : vector<256xf32>
    %reduce_min3A_51 = vector.multi_reduction <minimumf>, %slice3A_49, %reduce_min3A_50 [1] : vector<256x2048xf32> to vector<256xf32>
    %broadcast_in_dim3A_52 = vector.shape_cast %reduce_min3A_51 : vector<256xf32> to vector<256x1xf32>
    %eq3A_53 = vector.broadcast %broadcast_in_dim3A_52 : vector<256x1xf32> to vector<256x2048xf32>
    %eq3A_54 = arith.cmpf oeq, %slice3A_49, %eq3A_53 : vector<256x2048xf32>
    %jit3A_55 = arith.constant 2147483647 : i32
    %broadcast_in_dim3A_56 = vector.broadcast %jit3A_55 : i32 to vector<256x2048xi32>
    %select_n3A_57 = arith.select %eq3A_54, %iota3A, %broadcast_in_dim3A_56 : vector<256x2048xi1>, vector<256x2048xi32>
    %reduce_min3A_58 = arith.constant dense<2147483647> : vector<256xi32>
    %reduce_min3A_59 = vector.multi_reduction <minsi>, %select_n3A_57, %reduce_min3A_58 [1] : vector<256x2048xi32> to vector<256xi32>
    %broadcast_in_dim3A_60 = vector.shape_cast %reduce_min3A_59 : vector<256xi32> to vector<256x1xi32>
    %add3A_61 = arith.constant 2048 : i32
    %add3A_62 = vector.broadcast %add3A_61 : i32 to vector<256x1xi32>
    %add3A_63 = arith.addi %broadcast_in_dim3A_60, %add3A_62 : vector<256x1xi32>
    %lt3A_64 = arith.cmpf olt, %broadcast_in_dim3A_52, %bitcast_convert_type3A_48 : vector<256x1xf32>
    %eq3A_65 = arith.cmpf oeq, %broadcast_in_dim3A_52, %bitcast_convert_type3A_48 : vector<256x1xf32>
    %lt3A_66 = arith.cmpi slt, %add3A_63, %select_n3A_33 : vector<256x1xi32>
    %and3A_67 = arith.andi %eq3A_65, %lt3A_66 : vector<256x1xi1>
    %or3A_68 = arith.ori %lt3A_64, %and3A_67 : vector<256x1xi1>
    %select_n3A_69 = arith.select %or3A_68, %add3A_63, %select_n3A_33 : vector<256x1xi1>, vector<256x1xi32>
    %select_n3A_70 = arith.select %lt3A_64, %broadcast_in_dim3A_52, %select_n3A_34 : vector<256x1xi1>, vector<256x1xf32>
    %select_n3A_71 = arith.select %lt3A_64, %broadcast_in_dim3A_52, %bitcast_convert_type3A_48 : vector<256x1xi1>, vector<256x1xf32>
    %bitcast_convert_type3A_72 = tpu.bitcast %select_n3A_71 : vector<256x1xf32> -> vector<256x1xi32>
    %add3A_73 = arith.constant 32767 : i32
    %add3A_74 = vector.broadcast %add3A_73 : i32 to vector<256x1xi32>
    %add3A_75 = arith.addi %bitcast_convert_type3A_72, %add3A_74 : vector<256x1xi32>
    %shift_right_logical3A_76 = arith.constant 16 : i32
    %shift_right_logical3A_77 = vector.broadcast %shift_right_logical3A_76 : i32 to vector<256x1xi32>
    %shift_right_logical3A_78 = arith.shrui %bitcast_convert_type3A_72, %shift_right_logical3A_77 : vector<256x1xi32>
    %and3A_79 = arith.constant 1 : i32
    %and3A_80 = vector.broadcast %and3A_79 : i32 to vector<256x1xi32>
    %and3A_81 = arith.andi %shift_right_logical3A_78, %and3A_80 : vector<256x1xi32>
    %add3A_82 = arith.addi %add3A_75, %and3A_81 : vector<256x1xi32>
    %and3A_83 = arith.constant -65536 : i32
    %and3A_84 = vector.broadcast %and3A_83 : i32 to vector<256x1xi32>
    %and3A_85 = arith.andi %add3A_82, %and3A_84 : vector<256x1xi32>
    %bitcast_convert_type3A_86 = tpu.bitcast %and3A_85 : vector<256x1xi32> -> vector<256x1xf32>
    %slice3A_87 = vector.extract_strided_slice %sub3A {offsets = [0, 4096], sizes = [256, 2048], strides = [1, 1]} : vector<256x8192xf32> to vector<256x2048xf32>
    %reduce_min3A_88 = arith.constant dense<0x7F800000> : vector<256xf32>
    %reduce_min3A_89 = vector.multi_reduction <minimumf>, %slice3A_87, %reduce_min3A_88 [1] : vector<256x2048xf32> to vector<256xf32>
    %broadcast_in_dim3A_90 = vector.shape_cast %reduce_min3A_89 : vector<256xf32> to vector<256x1xf32>
    %eq3A_91 = vector.broadcast %broadcast_in_dim3A_90 : vector<256x1xf32> to vector<256x2048xf32>
    %eq3A_92 = arith.cmpf oeq, %slice3A_87, %eq3A_91 : vector<256x2048xf32>
    %jit3A_93 = arith.constant 2147483647 : i32
    %broadcast_in_dim3A_94 = vector.broadcast %jit3A_93 : i32 to vector<256x2048xi32>
    %select_n3A_95 = arith.select %eq3A_92, %iota3A, %broadcast_in_dim3A_94 : vector<256x2048xi1>, vector<256x2048xi32>
    %reduce_min3A_96 = arith.constant dense<2147483647> : vector<256xi32>
    %reduce_min3A_97 = vector.multi_reduction <minsi>, %select_n3A_95, %reduce_min3A_96 [1] : vector<256x2048xi32> to vector<256xi32>
    %broadcast_in_dim3A_98 = vector.shape_cast %reduce_min3A_97 : vector<256xi32> to vector<256x1xi32>
    %add3A_99 = arith.constant 4096 : i32
    %add3A_100 = vector.broadcast %add3A_99 : i32 to vector<256x1xi32>
    %add3A_101 = arith.addi %broadcast_in_dim3A_98, %add3A_100 : vector<256x1xi32>
    %lt3A_102 = arith.cmpf olt, %broadcast_in_dim3A_90, %bitcast_convert_type3A_86 : vector<256x1xf32>
    %eq3A_103 = arith.cmpf oeq, %broadcast_in_dim3A_90, %bitcast_convert_type3A_86 : vector<256x1xf32>
    %lt3A_104 = arith.cmpi slt, %add3A_101, %select_n3A_69 : vector<256x1xi32>
    %and3A_105 = arith.andi %eq3A_103, %lt3A_104 : vector<256x1xi1>
    %or3A_106 = arith.ori %lt3A_102, %and3A_105 : vector<256x1xi1>
    %select_n3A_107 = arith.select %or3A_106, %add3A_101, %select_n3A_69 : vector<256x1xi1>, vector<256x1xi32>
    %select_n3A_108 = arith.select %lt3A_102, %broadcast_in_dim3A_90, %select_n3A_70 : vector<256x1xi1>, vector<256x1xf32>
    %select_n3A_109 = arith.select %lt3A_102, %broadcast_in_dim3A_90, %bitcast_convert_type3A_86 : vector<256x1xi1>, vector<256x1xf32>
    %bitcast_convert_type3A_110 = tpu.bitcast %select_n3A_109 : vector<256x1xf32> -> vector<256x1xi32>
    %add3A_111 = arith.constant 32767 : i32
    %add3A_112 = vector.broadcast %add3A_111 : i32 to vector<256x1xi32>
    %add3A_113 = arith.addi %bitcast_convert_type3A_110, %add3A_112 : vector<256x1xi32>
    %shift_right_logical3A_114 = arith.constant 16 : i32
    %shift_right_logical3A_115 = vector.broadcast %shift_right_logical3A_114 : i32 to vector<256x1xi32>
    %shift_right_logical3A_116 = arith.shrui %bitcast_convert_type3A_110, %shift_right_logical3A_115 : vector<256x1xi32>
    %and3A_117 = arith.constant 1 : i32
    %and3A_118 = vector.broadcast %and3A_117 : i32 to vector<256x1xi32>
    %and3A_119 = arith.andi %shift_right_logical3A_116, %and3A_118 : vector<256x1xi32>
    %add3A_120 = arith.addi %add3A_113, %and3A_119 : vector<256x1xi32>
    %and3A_121 = arith.constant -65536 : i32
    %and3A_122 = vector.broadcast %and3A_121 : i32 to vector<256x1xi32>
    %and3A_123 = arith.andi %add3A_120, %and3A_122 : vector<256x1xi32>
    %bitcast_convert_type3A_124 = tpu.bitcast %and3A_123 : vector<256x1xi32> -> vector<256x1xf32>
    %slice3A_125 = vector.extract_strided_slice %sub3A {offsets = [0, 6144], sizes = [256, 2048], strides = [1, 1]} : vector<256x8192xf32> to vector<256x2048xf32>
    %reduce_min3A_126 = arith.constant dense<0x7F800000> : vector<256xf32>
    %reduce_min3A_127 = vector.multi_reduction <minimumf>, %slice3A_125, %reduce_min3A_126 [1] : vector<256x2048xf32> to vector<256xf32>
    %broadcast_in_dim3A_128 = vector.shape_cast %reduce_min3A_127 : vector<256xf32> to vector<256x1xf32>
    %eq3A_129 = vector.broadcast %broadcast_in_dim3A_128 : vector<256x1xf32> to vector<256x2048xf32>
    %eq3A_130 = arith.cmpf oeq, %slice3A_125, %eq3A_129 : vector<256x2048xf32>
    %jit3A_131 = arith.constant 2147483647 : i32
    %broadcast_in_dim3A_132 = vector.broadcast %jit3A_131 : i32 to vector<256x2048xi32>
    %select_n3A_133 = arith.select %eq3A_130, %iota3A, %broadcast_in_dim3A_132 : vector<256x2048xi1>, vector<256x2048xi32>
    %reduce_min3A_134 = arith.constant dense<2147483647> : vector<256xi32>
    %reduce_min3A_135 = vector.multi_reduction <minsi>, %select_n3A_133, %reduce_min3A_134 [1] : vector<256x2048xi32> to vector<256xi32>
    %broadcast_in_dim3A_136 = vector.shape_cast %reduce_min3A_135 : vector<256xi32> to vector<256x1xi32>
    %add3A_137 = arith.constant 6144 : i32
    %add3A_138 = vector.broadcast %add3A_137 : i32 to vector<256x1xi32>
    %add3A_139 = arith.addi %broadcast_in_dim3A_136, %add3A_138 : vector<256x1xi32>
    %lt3A_140 = arith.cmpf olt, %broadcast_in_dim3A_128, %bitcast_convert_type3A_124 : vector<256x1xf32>
    %eq3A_141 = arith.cmpf oeq, %broadcast_in_dim3A_128, %bitcast_convert_type3A_124 : vector<256x1xf32>
    %lt3A_142 = arith.cmpi slt, %add3A_139, %select_n3A_107 : vector<256x1xi32>
    %and3A_143 = arith.andi %eq3A_141, %lt3A_142 : vector<256x1xi1>
    %or3A_144 = arith.ori %lt3A_140, %and3A_143 : vector<256x1xi1>
    %select_n3A_145 = arith.select %or3A_144, %add3A_139, %select_n3A_107 : vector<256x1xi1>, vector<256x1xi32>
    %select_n3A_146 = arith.select %lt3A_140, %broadcast_in_dim3A_128, %select_n3A_108 : vector<256x1xi1>, vector<256x1xf32>
    %swap3A = arith.constant 0 : index
    %swap3A_147 = arith.constant 0 : index
    %swap3A_148 = vector.load %arg5[%swap3A, %swap3A_147] : memref<256x1xi32, #tpu.memory_space<vmem>>, vector<256x1xi32>
    tpu.vector_store %arg5[%swap3A, %swap3A_147], %select_n3A_145 {strides = array<i32>} : memref<256x1xi32, #tpu.memory_space<vmem>>, vector<256x1xi32>,
    %sub3A_149 = arith.constant 0 : i32
    %sub3A_150 = vector.broadcast %sub3A_149 : i32 to vector<256x1xi32>
    %sub3A_151 = arith.subi %select_n3A_145, %sub3A_150 : vector<256x1xi32>
    %eq3A_152 = vector.broadcast %sub3A_151 : vector<256x1xi32> to vector<256x2048xi32>
    %eq3A_153 = arith.cmpi eq, %iota3A, %eq3A_152 : vector<256x2048xi32>
    %convert_element_type3A = arith.extui %eq3A_153 : vector<256x2048xi1> to vector<256x2048xi32>
    %convert_element_type3A_154 = arith.sitofp %convert_element_type3A : vector<256x2048xi32> to vector<256x2048xf32>
    %swap3A_155 = arith.constant 0 : index
    %swap3A_156 = arith.constant 0 : index
    %swap3A_157 = vector.load %arg6[%swap3A_155, %swap3A_156] : memref<256x8192xf32, #tpu.memory_space<vmem>>, vector<256x2048xf32>
    tpu.vector_store %arg6[%swap3A_155, %swap3A_156], %convert_element_type3A_154 {strides = array<i32>} : memref<256x8192xf32, #tpu.memory_space<vmem>>, vector<256x2048xf32>,
    %reduce_sum3A = arith.constant dense<0.000000e+00> : vector<2048xf32>
    %reduce_sum3A_158 = vector.multi_reduction <add>, %convert_element_type3A_154, %reduce_sum3A [0] : vector<256x2048xf32> to vector<2048xf32>
    %broadcast_in_dim3A_159 = vector.shape_cast %reduce_sum3A_158 : vector<2048xf32> to vector<1x2048xf32>
    %sub3A_160 = arith.constant 2048 : i32
    %sub3A_161 = vector.broadcast %sub3A_160 : i32 to vector<256x1xi32>
    %sub3A_162 = arith.subi %select_n3A_145, %sub3A_161 : vector<256x1xi32>
    %eq3A_163 = vector.broadcast %sub3A_162 : vector<256x1xi32> to vector<256x2048xi32>
    %eq3A_164 = arith.cmpi eq, %iota3A, %eq3A_163 : vector<256x2048xi32>
    %convert_element_type3A_165 = arith.extui %eq3A_164 : vector<256x2048xi1> to vector<256x2048xi32>
    %convert_element_type3A_166 = arith.sitofp %convert_element_type3A_165 : vector<256x2048xi32> to vector<256x2048xf32>
    %swap3A_167 = arith.constant 0 : index
    %swap3A_168 = arith.constant 2048 : index
    %swap3A_169 = vector.load %arg6[%swap3A_167, %swap3A_168] : memref<256x8192xf32, #tpu.memory_space<vmem>>, vector<256x2048xf32>
    tpu.vector_store %arg6[%swap3A_167, %swap3A_168], %convert_element_type3A_166 {strides = array<i32>} : memref<256x8192xf32, #tpu.memory_space<vmem>>, vector<256x2048xf32>,
    %reduce_sum3A_170 = arith.constant dense<0.000000e+00> : vector<2048xf32>
    %reduce_sum3A_171 = vector.multi_reduction <add>, %convert_element_type3A_166, %reduce_sum3A_170 [0] : vector<256x2048xf32> to vector<2048xf32>
    %broadcast_in_dim3A_172 = vector.shape_cast %reduce_sum3A_171 : vector<2048xf32> to vector<1x2048xf32>
    %sub3A_173 = arith.constant 4096 : i32
    %sub3A_174 = vector.broadcast %sub3A_173 : i32 to vector<256x1xi32>
    %sub3A_175 = arith.subi %select_n3A_145, %sub3A_174 : vector<256x1xi32>
    %eq3A_176 = vector.broadcast %sub3A_175 : vector<256x1xi32> to vector<256x2048xi32>
    %eq3A_177 = arith.cmpi eq, %iota3A, %eq3A_176 : vector<256x2048xi32>
    %convert_element_type3A_178 = arith.extui %eq3A_177 : vector<256x2048xi1> to vector<256x2048xi32>
    %convert_element_type3A_179 = arith.sitofp %convert_element_type3A_178 : vector<256x2048xi32> to vector<256x2048xf32>
    %swap3A_180 = arith.constant 0 : index
    %swap3A_181 = arith.constant 4096 : index
    %swap3A_182 = vector.load %arg6[%swap3A_180, %swap3A_181] : memref<256x8192xf32, #tpu.memory_space<vmem>>, vector<256x2048xf32>
    tpu.vector_store %arg6[%swap3A_180, %swap3A_181], %convert_element_type3A_179 {strides = array<i32>} : memref<256x8192xf32, #tpu.memory_space<vmem>>, vector<256x2048xf32>,
    %reduce_sum3A_183 = arith.constant dense<0.000000e+00> : vector<2048xf32>
    %reduce_sum3A_184 = vector.multi_reduction <add>, %convert_element_type3A_179, %reduce_sum3A_183 [0] : vector<256x2048xf32> to vector<2048xf32>
    %broadcast_in_dim3A_185 = vector.shape_cast %reduce_sum3A_184 : vector<2048xf32> to vector<1x2048xf32>
    %sub3A_186 = arith.constant 6144 : i32
    %sub3A_187 = vector.broadcast %sub3A_186 : i32 to vector<256x1xi32>
    %sub3A_188 = arith.subi %select_n3A_145, %sub3A_187 : vector<256x1xi32>
    %eq3A_189 = vector.broadcast %sub3A_188 : vector<256x1xi32> to vector<256x2048xi32>
    %eq3A_190 = arith.cmpi eq, %iota3A, %eq3A_189 : vector<256x2048xi32>
    %convert_element_type3A_191 = arith.extui %eq3A_190 : vector<256x2048xi1> to vector<256x2048xi32>
    %convert_element_type3A_192 = arith.sitofp %convert_element_type3A_191 : vector<256x2048xi32> to vector<256x2048xf32>
    %swap3A_193 = arith.constant 0 : index
    %swap3A_194 = arith.constant 6144 : index
    %swap3A_195 = vector.load %arg6[%swap3A_193, %swap3A_194] : memref<256x8192xf32, #tpu.memory_space<vmem>>, vector<256x2048xf32>
    tpu.vector_store %arg6[%swap3A_193, %swap3A_194], %convert_element_type3A_192 {strides = array<i32>} : memref<256x8192xf32, #tpu.memory_space<vmem>>, vector<256x2048xf32>,
    %reduce_sum3A_196 = arith.constant dense<0.000000e+00> : vector<2048xf32>
    %reduce_sum3A_197 = vector.multi_reduction <add>, %convert_element_type3A_192, %reduce_sum3A_196 [0] : vector<256x2048xf32> to vector<2048xf32>
    %broadcast_in_dim3A_198 = vector.shape_cast %reduce_sum3A_197 : vector<2048xf32> to vector<1x2048xf32>
    %concatenate3A = tpu.concatenate %broadcast_in_dim3A_159, %broadcast_in_dim3A_172, %broadcast_in_dim3A_185, %broadcast_in_dim3A_198 in 1 : vector<1x2048xf32>, vector<1x2048xf32>, vector<1x2048xf32>, vector<1x2048xf32> -> vector<1x8192xf32>
    %reduce_sum3A_199 = vector.shape_cast %select_n3A_146 : vector<256x1xf32> to vector<1x256x1xf32>
    %reduce_sum3A_200 = arith.constant dense<0.000000e+00> : vector<1xf32>
    %reduce_sum3A_201 = vector.multi_reduction <add>, %reduce_sum3A_199, %reduce_sum3A_200 [1, 2] : vector<1x256x1xf32> to vector<1xf32>
    %reduce_sum3A_202 = vector.shape_cast %reduce_sum3A_201 : vector<1xf32> to vector<1x1x1xf32>
    %reduce_sum3A_203 = vector.extract %reduce_sum3A_202[0, 0, 0] : f32 from vector<1x1x1xf32>
    %eq3A_204 = arith.constant 0 : i32
    %eq3A_205 = arith.cmpi eq, %arg0, %eq3A_204 : i32
    %convert_element_type3A_206 = arith.extui %eq3A_205 : i1 to i32
    %cond3A = arith.constant 0 : i32
    %cond3A_207 = arith.cmpi ne, %convert_element_type3A_206, %cond3A : i32
    scf.if %cond3A_207 {
      %swap3A_217 = arith.constant 0 : index
      %swap3A_218 = arith.constant 0 : index
      %swap3A_219 = memref.load %arg10[%swap3A_217, %swap3A_218] : memref<1x1xf32, #tpu.memory_space<smem>>
      memref.store %reduce_sum3A_203, %arg10[%swap3A_217, %swap3A_218] : memref<1x1xf32, #tpu.memory_space<smem>>
      %swap3A_220 = arith.constant 0 : index
      %swap3A_221 = arith.constant 0 : index
      %swap3A_222 = vector.load %arg9[%swap3A_220, %swap3A_221] : memref<1x8192xf32, #tpu.memory_space<vmem>>, vector<1x8192xf32>
      tpu.vector_store %arg9[%swap3A_220, %swap3A_221], %concatenate3A {strides = array<i32>} : memref<1x8192xf32, #tpu.memory_space<vmem>>, vector<1x8192xf32>,
    } else {
    }
    %ne3A = arith.constant 0 : i32
    %ne3A_208 = arith.cmpi ne, %arg0, %ne3A : i32
    %convert_element_type3A_209 = arith.extui %ne3A_208 : i1 to i32
    %cond3A_210 = arith.constant 0 : i32
    %cond3A_211 = arith.cmpi ne, %convert_element_type3A_209, %cond3A_210 : i32
    scf.if %cond3A_211 {
      %get3A_217 = arith.constant 0 : index
      %get3A_218 = arith.constant 0 : index
      %get3A_219 = memref.load %arg10[%get3A_217, %get3A_218] : memref<1x1xf32, #tpu.memory_space<smem>>
      %add3A_220 = arith.addf %get3A_219, %reduce_sum3A_203 : f32
      %swap3A_221 = arith.constant 0 : index
      %swap3A_222 = arith.constant 0 : index
      %swap3A_223 = memref.load %arg10[%swap3A_221, %swap3A_222] : memref<1x1xf32, #tpu.memory_space<smem>>
      memref.store %add3A_220, %arg10[%swap3A_221, %swap3A_222] : memref<1x1xf32, #tpu.memory_space<smem>>
      %get3A_224 = arith.constant 0 : index
      %get3A_225 = arith.constant 0 : index
      %get3A_226 = vector.load %arg9[%get3A_224, %get3A_225] : memref<1x8192xf32, #tpu.memory_space<vmem>>, vector<1x8192xf32>
      %add3A_227 = arith.addf %get3A_226, %concatenate3A : vector<1x8192xf32>
      %swap3A_228 = arith.constant 0 : index
      %swap3A_229 = arith.constant 0 : index
      %swap3A_230 = vector.load %arg9[%swap3A_228, %swap3A_229] : memref<1x8192xf32, #tpu.memory_space<vmem>>, vector<1x8192xf32>
      tpu.vector_store %arg9[%swap3A_228, %swap3A_229], %add3A_227 {strides = array<i32>} : memref<1x8192xf32, #tpu.memory_space<vmem>>, vector<1x8192xf32>,
    } else {
    }
    %eq3A_212 = arith.constant 31 : i32
    %eq3A_213 = arith.cmpi eq, %arg0, %eq3A_212 : i32
    %convert_element_type3A_214 = arith.extui %eq3A_213 : i1 to i32
    %cond3A_215 = arith.constant 0 : i32
    %cond3A_216 = arith.cmpi ne, %convert_element_type3A_214, %cond3A_215 : i32
    scf.if %cond3A_216 {
      %get3A_217 = arith.constant 0 : index
      %get3A_218 = arith.constant 0 : index
      %get3A_219 = memref.load %arg10[%get3A_217, %get3A_218] : memref<1x1xf32, #tpu.memory_space<smem>>
      %add3A_220 = arith.constant 0.000000e+00 : f32
      %add3A_221 = arith.addf %get3A_219, %add3A_220 : f32
      %mul3A_222 = arith.constant 1.250000e+00 : f32
      %mul3A_223 = arith.mulf %mul3A_222, %add3A_221 : f32
      %div3A = arith.constant 0x4A000000 : f32
      %div3A_224 = arith.divf %mul3A_223, %div3A : f32
      %swap3A_225 = arith.constant 0 : index
      %swap3A_226 = arith.constant 0 : index
      %swap3A_227 = memref.load %arg7[%swap3A_225, %swap3A_226] : memref<1x1xf32, #tpu.memory_space<smem>>
      memref.store %div3A_224, %arg7[%swap3A_225, %swap3A_226] : memref<1x1xf32, #tpu.memory_space<smem>>
      %get3A_228 = arith.constant 0 : index
      %get3A_229 = arith.constant 0 : index
      %get3A_230 = vector.load %arg9[%get3A_228, %get3A_229] : memref<1x8192xf32, #tpu.memory_space<vmem>>, vector<1x8192xf32>
      %mul3A_231 = arith.constant 1.22070313E-4 : f32
      %mul3A_232 = vector.broadcast %mul3A_231 : f32 to vector<1x8192xf32>
      %mul3A_233 = arith.mulf %get3A_230, %mul3A_232 : vector<1x8192xf32>
      %add3A_234 = arith.constant 1.000000e-10 : f32
      %add3A_235 = vector.broadcast %add3A_234 : f32 to vector<1x8192xf32>
      %add3A_236 = arith.addf %mul3A_233, %add3A_235 : vector<1x8192xf32>
      %log3A = math.log %add3A_236 : vector<1x8192xf32>
      %mul3A_237 = arith.mulf %mul3A_233, %log3A : vector<1x8192xf32>
      %reduce_sum3A_238 = vector.shape_cast %mul3A_237 : vector<1x8192xf32> to vector<1x1x8192xf32>
      %reduce_sum3A_239 = arith.constant dense<0.000000e+00> : vector<1xf32>
      %reduce_sum3A_240 = vector.multi_reduction <add>, %reduce_sum3A_238, %reduce_sum3A_239 [1, 2] : vector<1x1x8192xf32> to vector<1xf32>
      %reduce_sum3A_241 = vector.shape_cast %reduce_sum3A_240 : vector<1xf32> to vector<1x1x1xf32>
      %reduce_sum3A_242 = vector.extract %reduce_sum3A_241[0, 0, 0] : f32 from vector<1x1x1xf32>
      %neg3A = arith.constant 0.000000e+00 : f32
      %neg3A_243 = arith.subf %neg3A, %reduce_sum3A_242 : f32
      %exp3A = math.exp %neg3A_243 : f32
      %swap3A_244 = arith.constant 0 : index
      %swap3A_245 = arith.constant 0 : index
      %swap3A_246 = memref.load %arg8[%swap3A_244, %swap3A_245] : memref<1x1xf32, #tpu.memory_space<smem>>
      memref.store %exp3A, %arg8[%swap3A_244, %swap3A_245] : memref<1x1xf32, #tpu.memory_space<smem>>
    } else {
    }
    return
  }
  func.func @transform_0(%arg0: i32) -> (i32, i32) {
    %c0_i32 = arith.constant 0 : i32
    %c0_i32_0 = arith.constant 0 : i32
    return %arg0, %c0_i32 : i32, i32
  }
  func.func @transform_1(%arg0: i32) -> (i32, i32) {
    %c0_i32 = arith.constant 0 : i32
    %c0_i32_0 = arith.constant 0 : i32
    return %arg0, %c0_i32 : i32, i32
  }
  func.func @transform_2(%arg0: i32) -> (i32, i32) {
    %c0_i32 = arith.constant 0 : i32
    %c0_i32_0 = arith.constant 0 : i32
    %c0_i32_1 = arith.constant 0 : i32
    return %c0_i32, %c0_i32_0 : i32, i32
  }
  func.func @transform_3(%arg0: i32) -> (i32, i32) {
    %c0_i32 = arith.constant 0 : i32
    %c0_i32_0 = arith.constant 0 : i32
    %c0_i32_1 = arith.constant 0 : i32
    return %c0_i32, %c0_i32_0 : i32, i32
  }
  func.func @transform_4(%arg0: i32) -> (i32, i32) {
    %c0_i32 = arith.constant 0 : i32
    %c0_i32_0 = arith.constant 0 : i32
    return %arg0, %c0_i32 : i32, i32
  }
  func.func @transform_5(%arg0: i32) -> (i32, i32) {
    %c0_i32 = arith.constant 0 : i32
    %c0_i32_0 = arith.constant 0 : i32
    return %arg0, %c0_i32 : i32, i32
  }
  func.func @transform_6(%arg0: i32) -> (i32, i32) {
    %c0_i32 = arith.constant 0 : i32
    %c0_i32_0 = arith.constant 0 : i32
    %c0_i32_1 = arith.constant 0 : i32
    return %c0_i32, %c0_i32_0 : i32, i32
  }
  func.func @transform_7(%arg0: i32) -> (i32, i32) {
    %c0_i32 = arith.constant 0 : i32
    %c0_i32_0 = arith.constant 0 : i32
    %c0_i32_1 = arith.constant 0 : i32
    return %c0_i32, %c0_i32_0 : i32, i32
  }
}

module attributes {stable_mosaic.version = 14 : i64} {
  func.func @_epi_body(%arg0: i32, %arg1: memref<1x1024x256xf32, #tpu.memory_space<vmem>>, %arg2: memref<1024x256xf32, #tpu.memory_space<vmem>>, %arg3: memref<1x256x1024xf32, #tpu.memory_space<vmem>>) attributes {dimension_semantics = [#tpu.dimension_semantics<arbitrary>], iteration_bounds = array<i64: 8>, scalar_prefetch = 0 : i64, scratch_operands = 0 : i64, tpu.core_type = #tpu.core_type<tc>, window_params = [{transform_indices = @transform_0, window_bounds = array<i64: 1, 1024, 256>}, {transform_indices = @transform_1, window_bounds = array<i64: 1024, 256>}, {transform_indices = @transform_2, window_bounds = array<i64: 1, 256, 1024>}]} {
    %get3A = arith.constant 0 : index
    %get3A_0 = arith.constant 0 : index
    %get3A_1 = arith.constant 0 : index
    %get3A_2 = vector.load %arg1[%get3A, %get3A_0, %get3A_1] : memref<1x1024x256xf32, #tpu.memory_space<vmem>>, vector<1x1024x256xf32>
    %get3A_3 = vector.shape_cast %get3A_2 : vector<1x1024x256xf32> to vector<1024x256xf32>
    %get3A_4 = arith.constant 0 : index
    %get3A_5 = arith.constant 0 : index
    %get3A_6 = vector.load %arg2[%get3A_4, %get3A_5] : memref<1024x256xf32, #tpu.memory_space<vmem>>, vector<1024x256xf32>
    %sub3A = arith.subf %get3A_6, %get3A_3 : vector<1024x256xf32>
    %add3A = arith.addf %get3A_3, %sub3A : vector<1024x256xf32>
    %transpose3A = tpu.transpose %add3A, [1, 0] : vector<1024x256xf32> -> vector<256x1024xf32>
    %swap3A = arith.constant 0 : index
    %swap3A_7 = arith.constant 0 : index
    %swap3A_8 = arith.constant 0 : index
    %swap3A_9 = vector.load %arg3[%swap3A, %swap3A_7, %swap3A_8] : memref<1x256x1024xf32, #tpu.memory_space<vmem>>, vector<1x256x1024xf32>
    %swap3A_10 = vector.shape_cast %swap3A_9 : vector<1x256x1024xf32> to vector<256x1024xf32>
    %swap3A_11 = vector.shape_cast %transpose3A : vector<256x1024xf32> to vector<1x256x1024xf32>
    tpu.vector_store %arg3[%swap3A, %swap3A_7, %swap3A_8], %swap3A_11 {strides = array<i32>} : memref<1x256x1024xf32, #tpu.memory_space<vmem>>, vector<1x256x1024xf32>,
    return
  }
  func.func @transform_0(%arg0: i32) -> (i32, i32, i32) {
    %c0_i32 = arith.constant 0 : i32
    %c0_i32_0 = arith.constant 0 : i32
    %c0_i32_1 = arith.constant 0 : i32
    return %arg0, %c0_i32, %c0_i32_0 : i32, i32, i32
  }
  func.func @transform_1(%arg0: i32) -> (i32, i32) {
    %c0_i32 = arith.constant 0 : i32
    %c0_i32_0 = arith.constant 0 : i32
    return %arg0, %c0_i32 : i32, i32
  }
  func.func @transform_2(%arg0: i32) -> (i32, i32, i32) {
    %c0_i32 = arith.constant 0 : i32
    %c0_i32_0 = arith.constant 0 : i32
    %c0_i32_1 = arith.constant 0 : i32
    return %arg0, %c0_i32, %c0_i32_0 : i32, i32, i32
  }
}

</mosaic_0001>

<sc_bundles>
// kernel: kernel.5.cloned.1.call-start
scs
__scs_entry_jumppad:
0x0: {  	(pc) =	sbr.rel $0x88, $3  }
0x1: {  	(tag) =	ssettag $0x0;
	lr =	simm.s32 $0x1  }
0x2: {  	[smem:$0x3F9F] =	sst lr;
	_ =	strace $0xD0000000  }
0x3: {  	_ = 	snop  }
0x4: {  	_ = 	snop  }
0x5: {  	_ = 	snop  }
0x6: {  	_ = 	snop  }
0x7: {  	_ = 	snop  }
__scs_overlays_trampoline_lowered:
0x8: {  	[smem:$0x3FAE] =	sst s0  }
0x9: {  	[smem:$0x3FAF] =	sst s1  }
0xa: {  	[smem:$0x3FB0] =	sst s2  }
0xb: {  	[smem:$0x3FB1] =	sst s3  }
0xc: {  	[smem:$0x3FB2] =	sst s4  }
0xd: {  	[smem:$0x3FB3] =	sst s5  }
0xe: {  	[smem:$0x3FB4] =	sst s6  }
0xf: {  	[smem:$0x3FB5] =	sst s7  }
0x10: {  	[smem:$0x3FB6] =	sst s8  }
0x11: {  	[smem:$0x3FB7] =	sst s9;
	s0 =	simm.s32 @!p0 $0x0  }
0x12: {  	s1 =	sld [smem:$0x3F9D];
	s0 =	simm.s32 @p0 $0x1  }
0x13: {  	[smem:$0x3FB8] =	sst s0;
	s0 =	simm.s32 @!p1 $0x0  }
0x14: {  	s2 =	sld [smem:$0x3F9C];
	s0 =	simm.s32 @p1 $0x1  }
0x15: {  	[smem:$0x3FB9] =	sst s0;
	s0 =	simm.s32 @!p2 $0x0  }
0x16: {  	s3 =	sld [smem:$0x3FDB];
	s0 =	simm.s32 @p2 $0x1  }
0x17: {  	s4 =	simm.s32 $0x1BF5;
	[smem:$0x3FBB] =	sst s0  }
0x18: {  	s0 =	sld [smem:$0x3F9E];
	_ =	swait.ge [sflag:s4], $0x0  }
0x19: {  	s7 =	sld [smem:$0x3F9F]  }
0x1a: {  	s8 =	sadd.s32 $0xFFFFE003, lr  }
0x1b: {  	s9 =	sadd.s32 $0xFFFFFEF7, lr;
	s5 =	simm.s32 $0xFFFFFFFF;
	p2 =	slt.u32 s8, $0xFFFFF086  }
0x1c: {  	p1 =	slt.u32 s9, $0xF7A;
	s5 =	simm.s32 @!p2 $0x0  }
0x1d: {  	s5 =	simm.s32 @p1 $0x1;
	p0 =	seq.s32 s7, s2  }
0x1e: {  	s7 =	smul.u32 @!p0 $0xF7A, s2;
	p2 =	seq.s32 @!p0 s5, $0x0  }
0x1f: {  	s9 =	smul.u32 $0xF7A, s1;
	s8 =	simm.s32 @!p0 $0x1BF5;
	p2 =	por !p2, p0  }
0x20: {  	[sflag:s8] =	ssyncset.s32 @!p0 $0xFFFFF086;
	s6 =	sadd.s32 @!p0 s3, s7;
	s7 =	simm.s32 @!p0 $0x108  }
0x21: {  	s3 =	sadd.s32 s3, s9;
	s6 =	sadd.s32 @!p0 $0x88, s6;
	s7 =	simm.s32 @p2 $0x1082  }
0x22: {  	[simem:s7], [sflag:s8] =	dma.local @!p0 [hbm:s6], $0xF7A  }
0x23: {  	s9 =	sor.u32 $0xD0000000, s2;
	s6 =	simm.s32 $0x108;
	_ =	swait.ge @!p0 [sflag:s8], $0x0  }
0x24: {  	s3 =	sadd.s32 $0x88, s3;
	s6 =	simm.s32 @!p1 $0x1082;
	[sflag:s4] =	ssyncset.s32 $0xFFFFF086  }
0x25: {  	[simem:s6], [sflag:s4] =	dma.local [hbm:s3], $0xF7A  }
0x26: {  	[smem:$0x3F9F] =	sst s1;
	(tag) =	ssettag s2;
	_ =	strace s9  }
0x27: {  	s1 =	sld [smem:$0x3FAF]  }
0x28: {  	s2 =	sld [smem:$0x3FB0]  }
0x29: {  	s4 =	sld [smem:$0x3FB2]  }
0x2a: {  	p0 =	seq.s32 s5, $0x0;
	s5 =	sld [smem:$0x3FB3]  }
0x2b: {  	s6 =	sld [smem:$0x3FB4]  }
0x2c: {  	s7 =	sld [smem:$0x3FB5]  }
0x2d: {  	s3 =	simm.s32 $0x108;
	s8 =	sld [smem:$0x3FB6]  }
0x2e: {  	s3 =	simm.s32 @!p0 $0x1082;
	s9 =	sld [smem:$0x3FB7]  }
0x2f: {  	lr =	sadd.s32 s0, s3;
	s0 =	sld [smem:$0x3FAE]  }
0x30: {  	s3 =	sld [smem:$0x3FB1]  }
0x31: {  	[smem:$0x3FBA] =	sst s10  }
0x32: {  	s10 =	sld [smem:$0x3FB8];
	_ =	sdelay $0x3  }
0x33: {  	p0 =	seq.s32 s10, $0x1;
	s10 =	sld [smem:$0x3FBA];
	_ =	sdelay $0x3  }
0x34: {  	[smem:$0x3FBA] =	sst s10  }
0x35: {  	s10 =	sld [smem:$0x3FB9];
	_ =	sdelay $0x3  }
0x36: {  	p1 =	seq.s32 s10, $0x1;
	s10 =	sld [smem:$0x3FBA];
	_ =	sdelay $0x3  }
0x37: {  	[smem:$0x3FBA] =	sst s10  }
0x38: {  	s10 =	sld [smem:$0x3FBB]  }
0x39: {  	_ = 	snop;
	(pc) =	sbr.ind lr, $3  }
0x3a: {  	_ = 	snop  }
0x3b: {  	_ = 	snop  }
0x3c: {  	p2 =	seq.s32 s10, $0x1;
	s10 =	sld [smem:$0x3FBA]  }
0x3d: {  	_ =	shalt  }
0x3e: {  	_ =	shalt  }
0x3f: {  	_ =	shalt  }
0x40: {  	_ =	shalt  }
0x41: {  	_ =	shalt  }
0x42: {  	_ =	shalt  }
0x43: {  	_ =	shalt  }
0x44: {  	_ =	shalt  }
0x45: {  	_ =	shalt  }
0x46: {  	_ =	shalt  }
0x47: {  	_ =	shalt  }
0x48: {  	_ =	shalt  }
0x49: {  	_ =	shalt  }
0x4a: {  	_ =	shalt  }
0x4b: {  	_ =	shalt  }
0x4c: {  	_ =	shalt  }
0x4d: {  	_ =	shalt  }
0x4e: {  	_ =	shalt  }
0x4f: {  	_ =	shalt  }
0x50: {  	_ =	shalt  }
0x51: {  	_ =	shalt  }
0x52: {  	_ =	shalt  }
0x53: {  	_ =	shalt  }
0x54: {  	_ =	shalt  }
0x55: {  	_ =	shalt  }
0x56: {  	_ =	shalt  }
0x57: {  	_ =	shalt  }
0x58: {  	_ =	shalt  }
0x59: {  	_ =	shalt  }
0x5a: {  	_ =	shalt  }
0x5b: {  	_ =	shalt  }
0x5c: {  	_ =	shalt  }
0x5d: {  	_ =	shalt  }
0x5e: {  	_ =	shalt  }
0x5f: {  	_ =	shalt  }
0x60: {  	_ =	shalt  }
0x61: {  	_ =	shalt  }
0x62: {  	_ =	shalt  }
0x63: {  	_ =	shalt  }
0x64: {  	_ =	shalt  }
0x65: {  	_ =	shalt  }
0x66: {  	_ =	shalt  }
0x67: {  	_ =	shalt  }
0x68: {  	_ =	shalt  }
0x69: {  	_ =	shalt  }
0x6a: {  	_ =	shalt  }
0x6b: {  	_ =	shalt  }
0x6c: {  	_ =	shalt  }
0x6d: {  	_ =	shalt  }
0x6e: {  	_ =	shalt  }
0x6f: {  	_ =	shalt  }
0x70: {  	_ =	shalt  }
0x71: {  	_ =	shalt  }
0x72: {  	_ =	shalt  }
0x73: {  	_ =	shalt  }
0x74: {  	_ =	shalt  }
0x75: {  	_ =	shalt  }
0x76: {  	_ =	shalt  }
0x77: {  	_ =	shalt  }
0x78: {  	_ =	shalt  }
0x79: {  	_ =	shalt  }
0x7a: {  	_ =	shalt  }
0x7b: {  	_ =	shalt  }
0x7c: {  	_ =	shalt  }
0x7d: {  	_ =	shalt  }
0x7e: {  	_ =	shalt  }
0x7f: {  	_ =	shalt  }
0x80: {  	_ =	shalt  }
0x81: {  	_ =	shalt  }
0x82: {  	_ =	shalt  }
0x83: {  	_ =	shalt  }
0x84: {  	_ =	shalt  }
0x85: {  	_ =	shalt  }
0x86: {  	_ =	shalt  }
0x87: {  	_ =	shalt  }
.Lfunc_end0:
.L_simem_size_0:
called_computation_lowered:
.L_overlay_start_0:
0x88: {  	s2 =	sld [smem:$0x3FD9]  }
0x89: {  	s3 =	sld [smem:$0x3FFE];
	_ =	sdelay $0x1  }
0x8a: {  	s1 =	srdreg.scid  }
0x8b: {  	s0 =	sand.u32 $0x1, s1  }
0x8c: {  	s14 =	sshll.u32 s0, $0xA;
	s2 =	sadd.s32 s3, s2  }
0x8d: {  	s2 =	sadd.s32 s2, s14  }
0x8e: {  	[smem:$0x3FC6] =	sst s2  }
0x8f: {  	_ = 	snop  }
0x90: {  	s2 =	sld [smem:$0x3FD0];
	_ =	sdelay $0x2  }
0x91: {  	s4 =	simm.s32 $0xA;
	s5 =	simm.s32 $0x10;
	s15 =	sld [smem:$0x3FC8]  }
0x92: {  	[smem:s5], [sflag:s4] =	dma.local [hbm:s2], $0x1  }
0x93: {  	_ =	swait.eq [sflag:s4], $0x1  }
0x94: {  	[sflag:s4] =	ssyncset.done $0x0  }
0x95: {  	[sflag:s4] =	ssyncadd.s32 $0xFFFFFFFF  }
0x96: {  	s16 =	sld [smem:$0x10];
	(tm) =	ssettm $0x1  }
0x97: {  	s17 =	sld [smem:$0x3FFB];
	_ =	sdelay $0x3  }
0x98: {  	_ =	strace s17  }
0x99: {  	s4 =	sld [smem:$0x3FFC];
	_ =	sdelay $0x3  }
0x9a: {  	_ =	strace s4  }
0x9b: {  	s4 =	sld [smem:$0x3FFD];
	_ =	sdelay $0x3  }
0x9c: {  	_ =	strace s4  }
0x9d: {  	_ =	strace $0x8FFFFFFF  }
0x9e: {  	s18 =	sld [smem:$0x3FDB];
	_ =	sdelay $0x1  }
0x9f: {  	s19 =	simm.s32 $_scs_section_size  }
0xa0: {  	s6 =	simm.s32 $_size__tile_overlayer_lowered;
	s7 =	simm.s32 $_tile_overlayer_lowered  }
0xa1: {  	s22 =	simm.s32 $0x1BFF;
	s21 =	sshll.u32 s7, $0x1;
	s4 =	sadd.s32 s19, s18  }
0xa2: {  	s8 =	simm.s32 $0x0;
	s20 =	sshll.u32 s6, $0x1;
	s6 =	sadd.s32 s21, s4  }
0xa3: {  	[timem:s8], [sflag:s22] =	dma.local [hbm:s6], s20  }
0xa4: {  	_ =	swait.ge [sflag:s22], s20  }
0xa5: {  	s5 =	ssub.s32 $0x0, s20;
	[sflag:s22] =	ssyncset.done $0x0  }
0xa6: {  	[sflag:s22] =	ssyncadd.s32 s5;
	_ =	sdelay $0x1  }
0xa7: {  	s23 =	simm.s32 $0x1B8B  }
0xa8: {  	_ =	swait.ge [sflag:s23], $0x1  }
0xa9: {  	[sflag:s23] =	ssyncset.done $0x0  }
0xaa: {  	s25 =	simm.s32 $0x1B8E;
	s24 =	sld [smem:$0x3FFE];
	[sflag:s23] =	ssyncadd.s32 $0xFFFFFFFF  }
0xab: {  	s26 =	simm.s32 $execute0_lowered;
	[smem:$0x3FD2] =	sst s25  }
0xac: {  	s6 =	sshll.u32 s26, $0x1;
	_ =	strace $0x80000046;
	[dreg:$0x1] =	wrdreg $0xFFFFFFFF  }
0xad: {  	s28 =	simm.s32 $_size_execute0_lowered;
	s4 =	sadd.s32 s4, s6;
	[dreg:$0x0] =	wrdreg $0x0  }
0xae: {  	s6 =	sshll.u32 s28, $0x1;
	[dreg:$0x2] =	wrdreg s4  }
0xaf: {  	[dreg:$0x3] =	wrdreg s6  }
0xb0: {  	[dreg:$0x4] =	wrdreg $0xC0  }
0xb1: {  	_ =	task [dreg:s8], $0x5FFFF  }
0xb2: {  	[dreg:$0x1] =	wrdreg $0xFFFFFFFF  }
0xb3: {  	[dreg:$0x0] =	wrdreg $0x60  }
0xb4: {  	[dreg:$0x2] =	wrdreg s24  }
0xb5: {  	[dreg:$0x3] =	wrdreg s15  }
0xb6: {  	[dreg:$0x4] =	wrdreg s16  }
0xb7: {  	[dreg:$0x5] =	wrdreg $0x9  }
0xb8: {  	_ =	task.clear_ibuf [dreg:s8], $0x6FFFF;
	_ =	strace $0x90000046  }
0xb9: {  	s29 =	simm.s32 $0x9;
	_ =	strace $0x80000048  }
0xba: {  	_ =	swait.ge [sflag:s29], $0x1  }
0xbb: {  	[sflag:s29] =	ssyncadd.s32 $0xFFFFFFFF  }
0xbc: {  	_ =	strace $0x90000048  }
0xbd: {  	_ =	sfence  }
0xbe: {  	s30 =	sld [smem:$0x0];
	_ =	sdelay $0x2  }
0xbf: {  	s31 =	sshll.u32 s1, $0xD;
	s1 =	sshrl.u32 s1, $0x2  }
0xc0: {  	s3 =	sand.u32 $0x4000, s31;
	s1 =	sadd.s32 s1, s30  }
0xc1: {  	s0 =	sor.u32 s3, s0;
	s1 =	sshll.u32 s1, $0x11  }
0xc2: {  	s0 =	sor.u32 s1, s0  }
0xc3: {  	s0 =	sadd.s32 $0x8F2B, s0  }
0xc4: {  	[sflag:s0] =	ssyncadd.remote.s32 $0x1  }
0xc5: {  	_ =	sfence.sel $0xFFFF  }
0xc6: {  	[dreg:$0x0] =	wrdreg $0xFFFFFFFF;
	(pc) =	sbr.abs _section_cstart, $3  }
0xc7: {  	[dreg:$0x1] =	wrdreg $0xFFFFFFFF  }
0xc8: {  	_ =	task.clear_ibuf [dreg:s8], $0x2FFFF;
	_ =	strace $0x9FFFFFFF  }
0xc9: {  	(tm) =	ssettm $0x7FFFFFFF  }
tec
execute0_lowered:
.L_overlay_start_1:
0x0: {  	(tag) =	ssettag $0x1  }
0x1: {  	s4 =	rddreg [dreg:$0x0]  }
0x2: {  	s1 =	rddreg [dreg:$0x1]  }
0x3: {  	s7 =	rddreg [dreg:$0x2]  }
0x4: {  	s0 =	rddreg [dreg:$0x3];
	s3 =	simm.s32 $0x0;
	s5 =	srdreg.scid  }
0x5: {  	s2 =	stileid.u32;
	s11 =	simm.s32 $0x880;
	s12 =	simm.s32 $0x1080  }
0x6: {  	s13 =	simm.s32 $0x1880;
	s14 =	simm.s32 $0x2080;
	s15 =	simm.s32 $0x2880  }
0x7: {  	s16 =	simm.s32 $0x3080;
	s17 =	simm.s32 $0x3880;
	s18 =	simm.s32 $0x4080  }
0x8: {  	s19 =	simm.s32 $0x4880;
	s20 =	simm.s32 $0x5080;
	s21 =	simm.s32 $0x5880  }
0x9: {  	s22 =	simm.s32 $0x6080;
	s23 =	simm.s32 $0x6880;
	s24 =	simm.s32 $0x7080  }
0xa: {  	s25 =	simm.s32 $0x7880;
	s26 =	simm.s32 $0x1;
	s5 =	sand.u32 $0x1, s5  }
0xb: {  	[smem:$0x7FF] =	sst s3;
	s8 =	sshll.u32 s2, $0x9;
	s6 =	ssub.s32 $0x2, s5  }
0xc: {  	s28 =	sadd.s32 $0xC00, s4;
	s5 =	sshll.u32 s5, $0x8;
	s9 =	sshrl.u32 s6, $0x1  }
0xd: {  	_ =	strace $0x80000047;
	s5 =	sor.u32 s5, s8;
	s9 =	ssub.s32 s6, s9  }
0xe: {  	s29 =	sshrl.u32 s5, $0x3;
	s30 =	sshll.u32 s5, $0x5;
	s10 =	sor.u32 $0x80, s5  }
0xf: {  	v2 =	vlaneseq.u32;
	s4 =	sadd.s32 s28, s29;
	s5 =	sadd.s32 s7, s30;
	s31 =	sshrl.u32 s10, $0x3  }
0x10: {  	vm0 =	vmmov $0xffff;
	v1 =	vshrl.u32 v2, $0x3;
	s10 =	sshll.u32 s10, $0x5;
	s8 =	smax.u32 s9, $0x1;
	s9 =	simm.s32 $0x2  }
0x11: {  	v0 =	vand.u32 $0x7, v2;
	v2 =	vor.u32 $0x8, v2;
	v1 =	vmul.u32 $0x8, v1;
	s6 =	sadd.s32 s28, s31;
	s7 =	sadd.s32 s7, s10;
	s10 =	simm.s32 $0x80  }
.LBB2_1:
0x12: {  	[tilespmem:s3], [sflag:$0x2] =	stream.linear.gather [hbm4b:s4+s3], $0x80, $0x38;
	[tilespmem:$0x8080] =	vst v63  }
0x13: {  	_ =	swait.ge [sflag:s9], $0x80  }
0x14: {  	[sflag:s9] =	ssyncset.done $0x0  }
0x15: {  	[sflag:s9] =	ssyncadd.s32 $0xFFFFFF80  }
0x16: {  	v3 =	vld [tilespmem:$0x0];
	_ =	sdelay $0x4  }
0x17: {  	v4 =	vshll.u32 v3, $0x1  }
0x18: {  	v3 =	vand.u32 $0x7, v3;
	v4 =	vand.u32 $0xFFFFFFF0, v4  }
0x19: {  	v3 =	vor.u32 v3, v4  }
0x1a: {  	v4 =	vperm.xlane v3, v0;
	_ =	sdelay $0x1  }
0x1b: {  	v3 =	vperm.xlane v3, v2;
	v4 =	vadd.s32 v1, v4;
	_ =	sdelay $0x1  }
0x1c: {  	v3 =	vadd.s32 v1, v3;
	_ =	sdelay $0x2  }
0x1d: {  	[tilespmem:s10], [sflag:$0x1] =	stream.indirect_vreg.gather [hbm4b:s1+s3], $0x80, v4, vm0, $0xb8;
	[tilespmem:$0x8080] =	vst v63  }
0x1e: {  	_ = 	snop  }
0x1f: {  	[tilespmem:s11], [sflag:$0x1] =	stream.indirect_vreg.gather [hbm4b:s1+s3], $0x80, v3, vm0, $0xb8;
	[tilespmem:$0x8080] =	vst v63  }
0x20: {  	v3 =	vld [tilespmem:$0x10];
	_ =	sdelay $0x4  }
0x21: {  	v49 =	vshll.u32 v3, $0x1  }
0x22: {  	v3 =	vand.u32 $0x7, v3;
	v4 =	vand.u32 $0xFFFFFFF0, v49  }
0x23: {  	v3 =	vor.u32 v3, v4  }
0x24: {  	v4 =	vperm.xlane v3, v0;
	_ =	sdelay $0x1  }
0x25: {  	v3 =	vperm.xlane v3, v2;
	v4 =	vadd.s32 v1, v4;
	_ =	sdelay $0x1  }
0x26: {  	v3 =	vadd.s32 v1, v3;
	_ =	sdelay $0x2  }
0x27: {  	[tilespmem:s12], [sflag:$0x1] =	stream.indirect_vreg.gather [hbm4b:s1+s3], $0x80, v4, vm0, $0xb8;
	[tilespmem:$0x8080] =	vst v63  }
0x28: {  	_ = 	snop  }
0x29: {  	[tilespmem:s13], [sflag:$0x1] =	stream.indirect_vreg.gather [hbm4b:s1+s3], $0x80, v3, vm0, $0xb8;
	[tilespmem:$0x8080] =	vst v63  }
0x2a: {  	v3 =	vld [tilespmem:$0x20];
	_ =	sdelay $0x4  }
0x2b: {  	v50 =	vshll.u32 v3, $0x1  }
0x2c: {  	v3 =	vand.u32 $0x7, v3;
	v4 =	vand.u32 $0xFFFFFFF0, v50  }
0x2d: {  	v3 =	vor.u32 v3, v4  }
0x2e: {  	v4 =	vperm.xlane v3, v0;
	_ =	sdelay $0x1  }
0x2f: {  	v3 =	vperm.xlane v3, v2;
	v4 =	vadd.s32 v1, v4;
	_ =	sdelay $0x1  }
0x30: {  	v3 =	vadd.s32 v1, v3;
	_ =	sdelay $0x2  }
0x31: {  	[tilespmem:s14], [sflag:$0x1] =	stream.indirect_vreg.gather [hbm4b:s1+s3], $0x80, v4, vm0, $0xb8;
	[tilespmem:$0x8080] =	vst v63  }
0x32: {  	_ = 	snop  }
0x33: {  	[tilespmem:s15], [sflag:$0x1] =	stream.indirect_vreg.gather [hbm4b:s1+s3], $0x80, v3, vm0, $0xb8;
	[tilespmem:$0x8080] =	vst v63  }
0x34: {  	v3 =	vld [tilespmem:$0x30];
	_ =	sdelay $0x4  }
0x35: {  	v51 =	vshll.u32 v3, $0x1  }
0x36: {  	v3 =	vand.u32 $0x7, v3;
	v4 =	vand.u32 $0xFFFFFFF0, v51  }
0x37: {  	v3 =	vor.u32 v3, v4  }
0x38: {  	v4 =	vperm.xlane v3, v0;
	_ =	sdelay $0x1  }
0x39: {  	v3 =	vperm.xlane v3, v2;
	v4 =	vadd.s32 v1, v4;
	_ =	sdelay $0x1  }
0x3a: {  	v3 =	vadd.s32 v1, v3;
	_ =	sdelay $0x2  }
0x3b: {  	[tilespmem:s16], [sflag:$0x1] =	stream.indirect_vreg.gather [hbm4b:s1+s3], $0x80, v4, vm0, $0xb8;
	[tilespmem:$0x8080] =	vst v63  }
0x3c: {  	_ = 	snop  }
0x3d: {  	[tilespmem:s17], [sflag:$0x1] =	stream.indirect_vreg.gather [hbm4b:s1+s3], $0x80, v3, vm0, $0xb8;
	[tilespmem:$0x8080] =	vst v63  }
0x3e: {  	v3 =	vld [tilespmem:$0x40];
	_ =	sdelay $0x4  }
0x3f: {  	v52 =	vshll.u32 v3, $0x1  }
0x40: {  	v3 =	vand.u32 $0x7, v3;
	v4 =	vand.u32 $0xFFFFFFF0, v52  }
0x41: {  	v3 =	vor.u32 v3, v4  }
0x42: {  	v4 =	vperm.xlane v3, v0;
	_ =	sdelay $0x1  }
0x43: {  	v3 =	vperm.xlane v3, v2;
	v4 =	vadd.s32 v1, v4;
	_ =	sdelay $0x1  }
0x44: {  	v3 =	vadd.s32 v1, v3;
	_ =	sdelay $0x2  }
0x45: {  	[tilespmem:s18], [sflag:$0x1] =	stream.indirect_vreg.gather [hbm4b:s1+s3], $0x80, v4, vm0, $0xb8;
	[tilespmem:$0x8080] =	vst v63  }
0x46: {  	_ = 	snop  }
0x47: {  	[tilespmem:s19], [sflag:$0x1] =	stream.indirect_vreg.gather [hbm4b:s1+s3], $0x80, v3, vm0, $0xb8;
	[tilespmem:$0x8080] =	vst v63  }
0x48: {  	v3 =	vld [tilespmem:$0x50];
	_ =	sdelay $0x4  }
0x49: {  	v53 =	vshll.u32 v3, $0x1  }
0x4a: {  	v3 =	vand.u32 $0x7, v3;
	v4 =	vand.u32 $0xFFFFFFF0, v53  }
0x4b: {  	v3 =	vor.u32 v3, v4  }
0x4c: {  	v4 =	vperm.xlane v3, v0;
	_ =	sdelay $0x1  }
0x4d: {  	v3 =	vperm.xlane v3, v2;
	v4 =	vadd.s32 v1, v4;
	_ =	sdelay $0x1  }
0x4e: {  	v3 =	vadd.s32 v1, v3;
	_ =	sdelay $0x2  }
0x4f: {  	[tilespmem:s20], [sflag:$0x1] =	stream.indirect_vreg.gather [hbm4b:s1+s3], $0x80, v4, vm0, $0xb8;
	[tilespmem:$0x8080] =	vst v63  }
0x50: {  	_ = 	snop  }
0x51: {  	[tilespmem:s21], [sflag:$0x1] =	stream.indirect_vreg.gather [hbm4b:s1+s3], $0x80, v3, vm0, $0xb8;
	[tilespmem:$0x8080] =	vst v63  }
0x52: {  	v3 =	vld [tilespmem:$0x60];
	_ =	sdelay $0x4  }
0x53: {  	v54 =	vshll.u32 v3, $0x1  }
0x54: {  	v3 =	vand.u32 $0x7, v3;
	v4 =	vand.u32 $0xFFFFFFF0, v54  }
0x55: {  	v3 =	vor.u32 v3, v4  }
0x56: {  	v4 =	vperm.xlane v3, v0;
	_ =	sdelay $0x1  }
0x57: {  	v3 =	vperm.xlane v3, v2;
	v4 =	vadd.s32 v1, v4;
	_ =	sdelay $0x1  }
0x58: {  	v3 =	vadd.s32 v1, v3;
	_ =	sdelay $0x2  }
0x59: {  	[tilespmem:s22], [sflag:$0x1] =	stream.indirect_vreg.gather [hbm4b:s1+s3], $0x80, v4, vm0, $0xb8;
	[tilespmem:$0x8080] =	vst v63  }
0x5a: {  	_ = 	snop  }
0x5b: {  	[tilespmem:s23], [sflag:$0x1] =	stream.indirect_vreg.gather [hbm4b:s1+s3], $0x80, v3, vm0, $0xb8;
	[tilespmem:$0x8080] =	vst v63  }
0x5c: {  	v3 =	vld [tilespmem:$0x70];
	_ =	sdelay $0x4  }
0x5d: {  	v55 =	vshll.u32 v3, $0x1  }
0x5e: {  	v3 =	vand.u32 $0x7, v3;
	v4 =	vand.u32 $0xFFFFFFF0, v55  }
0x5f: {  	v3 =	vor.u32 v3, v4  }
0x60: {  	v4 =	vperm.xlane v3, v0;
	_ =	sdelay $0x1  }
0x61: {  	v3 =	vperm.xlane v3, v2;
	v4 =	vadd.s32 v1, v4;
	_ =	sdelay $0x1  }
0x62: {  	v3 =	vadd.s32 v1, v3;
	_ =	sdelay $0x2  }
0x63: {  	[tilespmem:s24], [sflag:$0x1] =	stream.indirect_vreg.gather [hbm4b:s1+s3], $0x80, v4, vm0, $0xb8;
	[tilespmem:$0x8080] =	vst v63  }
0x64: {  	_ = 	snop  }
0x65: {  	[tilespmem:s25], [sflag:$0x1] =	stream.indirect_vreg.gather [hbm4b:s1+s3], $0x80, v3, vm0, $0xb8;
	[tilespmem:$0x8080] =	vst v63  }
0x66: {  	_ =	swait.ge [sflag:s26], $0x8000  }
0x67: {  	[sflag:s26] =	ssyncset.done $0x0  }
0x68: {  	[sflag:s26] =	ssyncadd.s32 $0xFFFF8000  }
0x69: {  	[hbm4b:s5+s3] =	stream.linear.scatter [tilespmem:s10], [sflag:$0x2], $0x8000, $0x38;
	[tilespmem:$0x8080] =	vst v63  }
0x6a: {  	_ =	swait.ge [sflag:s9], $0x8000  }
0x6b: {  	[sflag:s9] =	ssyncset.done $0x0  }
0x6c: {  	[sflag:s9] =	ssyncadd.s32 $0xFFFF8000  }
0x6d: {  	[tilespmem:s3], [sflag:$0x2] =	stream.linear.gather [hbm4b:s6+s3], $0x80, $0x38;
	[tilespmem:$0x8080] =	vst v63  }
0x6e: {  	_ =	swait.ge [sflag:s9], $0x80  }
0x6f: {  	[sflag:s9] =	ssyncset.done $0x0  }
0x70: {  	[sflag:s9] =	ssyncadd.s32 $0xFFFFFF80  }
0x71: {  	v3 =	vld [tilespmem:$0x0];
	_ =	sdelay $0x4  }
0x72: {  	v56 =	vshll.u32 v3, $0x1  }
0x73: {  	v3 =	vand.u32 $0x7, v3;
	v4 =	vand.u32 $0xFFFFFFF0, v56  }
0x74: {  	v3 =	vor.u32 v3, v4  }
0x75: {  	v4 =	vperm.xlane v3, v0;
	_ =	sdelay $0x1  }
0x76: {  	v3 =	vperm.xlane v3, v2;
	v4 =	vadd.s32 v1, v4;
	_ =	sdelay $0x1  }
0x77: {  	v3 =	vadd.s32 v1, v3;
	_ =	sdelay $0x2  }
0x78: {  	[tilespmem:s10], [sflag:$0x1] =	stream.indirect_vreg.gather [hbm4b:s1+s3], $0x80, v4, vm0, $0xb8;
	[tilespmem:$0x8080] =	vst v63  }
0x79: {  	_ = 	snop  }
0x7a: {  	[tilespmem:s11], [sflag:$0x1] =	stream.indirect_vreg.gather [hbm4b:s1+s3], $0x80, v3, vm0, $0xb8;
	[tilespmem:$0x8080] =	vst v63  }
0x7b: {  	v3 =	vld [tilespmem:$0x10];
	_ =	sdelay $0x4  }
0x7c: {  	v57 =	vshll.u32 v3, $0x1  }
0x7d: {  	v3 =	vand.u32 $0x7, v3;
	v4 =	vand.u32 $0xFFFFFFF0, v57  }
0x7e: {  	v3 =	vor.u32 v3, v4  }
0x7f: {  	v4 =	vperm.xlane v3, v0;
	_ =	sdelay $0x1  }
0x80: {  	v3 =	vperm.xlane v3, v2;
	v4 =	vadd.s32 v1, v4;
	_ =	sdelay $0x1  }
0x81: {  	v3 =	vadd.s32 v1, v3;
	_ =	sdelay $0x2  }
0x82: {  	[tilespmem:s12], [sflag:$0x1] =	stream.indirect_vreg.gather [hbm4b:s1+s3], $0x80, v4, vm0, $0xb8;
	[tilespmem:$0x8080] =	vst v63  }
0x83: {  	_ = 	snop  }
0x84: {  	[tilespmem:s13], [sflag:$0x1] =	stream.indirect_vreg.gather [hbm4b:s1+s3], $0x80, v3, vm0, $0xb8;
	[tilespmem:$0x8080] =	vst v63  }
0x85: {  	v3 =	vld [tilespmem:$0x20];
	_ =	sdelay $0x4  }
0x86: {  	v58 =	vshll.u32 v3, $0x1  }
0x87: {  	v3 =	vand.u32 $0x7, v3;
	v4 =	vand.u32 $0xFFFFFFF0, v58  }
0x88: {  	v3 =	vor.u32 v3, v4  }
0x89: {  	v4 =	vperm.xlane v3, v0;
	_ =	sdelay $0x1  }
0x8a: {  	v3 =	vperm.xlane v3, v2;
	v4 =	vadd.s32 v1, v4;
	_ =	sdelay $0x1  }
0x8b: {  	v3 =	vadd.s32 v1, v3;
	_ =	sdelay $0x2  }
0x8c: {  	[tilespmem:s14], [sflag:$0x1] =	stream.indirect_vreg.gather [hbm4b:s1+s3], $0x80, v4, vm0, $0xb8;
	[tilespmem:$0x8080] =	vst v63  }
0x8d: {  	_ = 	snop  }
0x8e: {  	[tilespmem:s15], [sflag:$0x1] =	stream.indirect_vreg.gather [hbm4b:s1+s3], $0x80, v3, vm0, $0xb8;
	[tilespmem:$0x8080] =	vst v63  }
0x8f: {  	v3 =	vld [tilespmem:$0x30];
	_ =	sdelay $0x4  }
0x90: {  	v59 =	vshll.u32 v3, $0x1  }
0x91: {  	v3 =	vand.u32 $0x7, v3;
	v4 =	vand.u32 $0xFFFFFFF0, v59  }
0x92: {  	v3 =	vor.u32 v3, v4  }
0x93: {  	v4 =	vperm.xlane v3, v0;
	_ =	sdelay $0x1  }
0x94: {  	v3 =	vperm.xlane v3, v2;
	v4 =	vadd.s32 v1, v4;
	_ =	sdelay $0x1  }
0x95: {  	v3 =	vadd.s32 v1, v3;
	_ =	sdelay $0x2  }
0x96: {  	[tilespmem:s16], [sflag:$0x1] =	stream.indirect_vreg.gather [hbm4b:s1+s3], $0x80, v4, vm0, $0xb8;
	[tilespmem:$0x8080] =	vst v63  }
0x97: {  	_ = 	snop  }
0x98: {  	[tilespmem:s17], [sflag:$0x1] =	stream.indirect_vreg.gather [hbm4b:s1+s3], $0x80, v3, vm0, $0xb8;
	[tilespmem:$0x8080] =	vst v63  }
0x99: {  	v3 =	vld [tilespmem:$0x40];
	_ =	sdelay $0x4  }
0x9a: {  	v60 =	vshll.u32 v3, $0x1  }
0x9b: {  	v3 =	vand.u32 $0x7, v3;
	v4 =	vand.u32 $0xFFFFFFF0, v60  }
0x9c: {  	v3 =	vor.u32 v3, v4  }
0x9d: {  	v4 =	vperm.xlane v3, v0;
	_ =	sdelay $0x1  }
0x9e: {  	v3 =	vperm.xlane v3, v2;
	v4 =	vadd.s32 v1, v4;
	_ =	sdelay $0x1  }
0x9f: {  	v3 =	vadd.s32 v1, v3;
	_ =	sdelay $0x2  }
0xa0: {  	[tilespmem:s18], [sflag:$0x1] =	stream.indirect_vreg.gather [hbm4b:s1+s3], $0x80, v4, vm0, $0xb8;
	[tilespmem:$0x8080] =	vst v63  }
0xa1: {  	_ = 	snop  }
0xa2: {  	[tilespmem:s19], [sflag:$0x1] =	stream.indirect_vreg.gather [hbm4b:s1+s3], $0x80, v3, vm0, $0xb8;
	[tilespmem:$0x8080] =	vst v63  }
0xa3: {  	v3 =	vld [tilespmem:$0x50];
	_ =	sdelay $0x4  }
0xa4: {  	v61 =	vshll.u32 v3, $0x1  }
0xa5: {  	v3 =	vand.u32 $0x7, v3;
	v4 =	vand.u32 $0xFFFFFFF0, v61  }
0xa6: {  	v3 =	vor.u32 v3, v4  }
0xa7: {  	v4 =	vperm.xlane v3, v0;
	_ =	sdelay $0x1  }
0xa8: {  	v3 =	vperm.xlane v3, v2;
	v4 =	vadd.s32 v1, v4;
	_ =	sdelay $0x1  }
0xa9: {  	v3 =	vadd.s32 v1, v3;
	_ =	sdelay $0x2  }
0xaa: {  	[tilespmem:s20], [sflag:$0x1] =	stream.indirect_vreg.gather [hbm4b:s1+s3], $0x80, v4, vm0, $0xb8;
	[tilespmem:$0x8080] =	vst v63  }
0xab: {  	_ = 	snop  }
0xac: {  	[tilespmem:s21], [sflag:$0x1] =	stream.indirect_vreg.gather [hbm4b:s1+s3], $0x80, v3, vm0, $0xb8;
	[tilespmem:$0x8080] =	vst v63  }
0xad: {  	v3 =	vld [tilespmem:$0x60];
	_ =	sdelay $0x4  }
0xae: {  	v62 =	vshll.u32 v3, $0x1  }
0xaf: {  	v3 =	vand.u32 $0x7, v3;
	v4 =	vand.u32 $0xFFFFFFF0, v62  }
0xb0: {  	v3 =	vor.u32 v3, v4  }
0xb1: {  	v4 =	vperm.xlane v3, v0;
	_ =	sdelay $0x1  }
0xb2: {  	v3 =	vperm.xlane v3, v2;
	v4 =	vadd.s32 v1, v4;
	_ =	sdelay $0x1  }
0xb3: {  	v3 =	vadd.s32 v1, v3;
	_ =	sdelay $0x2  }
0xb4: {  	[tilespmem:s22], [sflag:$0x1] =	stream.indirect_vreg.gather [hbm4b:s1+s3], $0x80, v4, vm0, $0xb8;
	[tilespmem:$0x8080] =	vst v63  }
0xb5: {  	_ = 	snop  }
0xb6: {  	[tilespmem:s23], [sflag:$0x1] =	stream.indirect_vreg.gather [hbm4b:s1+s3], $0x80, v3, vm0, $0xb8;
	[tilespmem:$0x8080] =	vst v63  }
0xb7: {  	v3 =	vld [tilespmem:$0x70];
	_ =	sdelay $0x4  }
0xb8: {  	v63 =	vshll.u32 v3, $0x1  }
0xb9: {  	v3 =	vand.u32 $0x7, v3;
	v4 =	vand.u32 $0xFFFFFFF0, v63  }
0xba: {  	v3 =	vor.u32 v3, v4  }
0xbb: {  	v4 =	vperm.xlane v3, v0;
	_ =	sdelay $0x1  }
0xbc: {  	v3 =	vperm.xlane v3, v2;
	v4 =	vadd.s32 v1, v4;
	_ =	sdelay $0x1  }
0xbd: {  	v3 =	vadd.s32 v1, v3;
	_ =	sdelay $0x2  }
0xbe: {  	[tilespmem:s24], [sflag:$0x1] =	stream.indirect_vreg.gather [hbm4b:s1+s3], $0x80, v4, vm0, $0xb8;
	[tilespmem:$0x8080] =	vst v63  }
0xbf: {  	_ = 	snop  }
0xc0: {  	[tilespmem:s25], [sflag:$0x1] =	stream.indirect_vreg.gather [hbm4b:s1+s3], $0x80, v3, vm0, $0xb8;
	[tilespmem:$0x8080] =	vst v63  }
0xc1: {  	_ =	swait.ge [sflag:s26], $0x8000  }
0xc2: {  	p0 =	sne.s32 s8, $0x1;
	[sflag:s26] =	ssyncset.done $0x0  }
.Ltmp0:
0xc3: {  	[sflag:s26] =	ssyncadd.s32 $0xFFFF8000;
	(pc) =	sbr.rel @p0 .LBB2_1-.Ltmp0, $4  }
0xc4: {  	[hbm4b:s7+s3] =	stream.linear.scatter [tilespmem:s10], [sflag:$0x2], $0x8000, $0x38;
	[tilespmem:$0x8080] =	vst v63  }
0xc5: {  	_ =	swait.ge [sflag:s9], $0x8000  }
0xc6: {  	[sflag:s9] =	ssyncset.done $0x0  }
0xc7: {  	s8 =	sadd.s32 $0xFFFFFFFF, s8;
	[sflag:s9] =	ssyncadd.s32 $0xFFFF8000  }
0xc8: {  	_ =	sfence.sel $0x180000  }
0xc9: {  	[bflag:$0x0] =	sbarrier.arrive $0xFFFF  }
0xca: {  	p0 =	sne.s32 s2, $0x0;
	_ =	strace $0x90000047  }
0xcb: {  	s0 =	sadd.s32 @!p0 $0x100000, s0;
	[bflag:$0x2] =	sbarrier.arrive $0xFFFF  }
0xcc: {  	[sflag:s0] =	ssyncadd.tile.s32 @!p0 $0x1;
	_ =	shalt  }
.Lfunc_end2:
_tile_overlayer_lowered:
.L_overlay_start_2:
0xcd: {  	(tag) =	ssettag $0x2  }
0xce: {  	s0 =	rddreg [dreg:$0x0];
	s2 =	stileid.u32  }
0xcf: {  	s1 =	rddreg [dreg:$0x1];
	p0 =	sne.s32 s2, $0x0  }
0xd0: {  	s3 =	rddreg [dreg:$0x2];
	[bflag:$0x3] =	sbarrier.arrive $0xFFFF;
	s2 =	simm.s32 @!p0 $0x1C02  }
0xd1: {  	[timem:s3], [sflag:s2] =	dma.local @!p0 [hbm:s0], s1  }
0xd2: {  	s0 =	simm.s32 @!p0 $0x2  }
0xd3: {  	_ =	swait.ge @!p0 [sflag:s0], s1  }
0xd4: {  	s1 =	ssub.s32 @!p0 $0x0, s1;
	[sflag:s0] =	ssyncset.done @!p0 $0x0  }
0xd5: {  	[sflag:s0] =	ssyncadd.s32 @!p0 s1  }
0xd6: {  	[bflag:$0x3] =	sbarrier.arrive $0xFFFF  }
0xd7: {  	_ =	shalt  }

</sc_bundles>
